<compile_context>
chip_gen: v7x
topology: tpu7x:2x2x1
jax: 0.10.2.dev20260603
libtpu: 0.0.44.dev20260713+nightly
codegen_flags: <defaults>
</compile_context>

<pallas_src>
import functools

import jax
import jax.numpy as jnp
from jax import lax
from jax.experimental import pallas as pl
from jax.experimental.pallas import tpu as pltpu
from jax.experimental.pallas import tpu_sc as plsc

K = 1024
F = 256
N = 4096

NB = 2048
NBLK = N // NB

NC = 2
NS = 16
NW = NC * NS
PW = N // NW
RW = K // NS
CW = 16


def _assign_body(c_ref, x_ref, nearest_ref, xt_ref, ct_ref, colsum_ref):
    C = c_ref[...]
    Xb = x_ref[...]
    xt_ref[...] = Xb.T.reshape(1, F, NB)
    c2 = jnp.sum(C * C, axis=1, keepdims=True)

    @pl.when(pl.program_id(0) == 0)
    def _():
        ct_ref[...] = C.T
        X1 = Xb[0:K, :]
        s_c = jnp.sum(C, axis=0, keepdims=True)
        x2 = jnp.sum(X1 * X1, axis=1, keepdims=True)
        xs = lax.dot_general(X1, s_c, (((1,), (1,)), ((), ())),
                             preferred_element_type=jnp.float32)
        colsum_ref[...] = jnp.sum(c2) + jnp.float32(K) * x2 - 2.0 * xs
    prod = lax.dot_general(C, Xb, (((1,), (1,)), ((), ())),
                           preferred_element_type=jnp.float32)
    d = c2 - 2.0 * prod
    mn = jnp.min(d, axis=0, keepdims=True)
    kio = lax.broadcasted_iota(jnp.int32, d.shape, 0)
    near = jnp.min(jnp.where(d == mn, kio, K), axis=0)
    nearest_ref[...] = near.reshape(1, 1, NB)


_assign = pl.pallas_call(
    _assign_body,
    grid=(NBLK,),
    in_specs=[
        pl.BlockSpec((K, F), lambda i: (0, 0)),
        pl.BlockSpec((NB, F), lambda i: (i, 0)),
    ],
    out_specs=[
        pl.BlockSpec((1, 1, NB), lambda i: (i, 0, 0)),
        pl.BlockSpec((1, F, NB), lambda i: (i, 0, 0)),
        pl.BlockSpec((F, K), lambda i: (0, 0)),
        pl.BlockSpec((K, 1), lambda i: (0, 0)),
    ],
    out_shape=[
        jax.ShapeDtypeStruct((NBLK, 1, NB), jnp.int32),
        jax.ShapeDtypeStruct((NBLK, F, NB), jnp.float32),
        jax.ShapeDtypeStruct((F, K), jnp.float32),
        jax.ShapeDtypeStruct((K, 1), jnp.float32),
    ],
)


NP = N // NC
BPC = NBLK // NC


def _segment_body(xt_hbm, idx_hbm,
                  sums_hbm, cnts_hbm,
                  idx_v, xtv, acc_v, cacc_v, sem):
    c = lax.axis_index("c")
    s = lax.axis_index("s")
    cps = [
        pltpu.make_async_copy(idx_hbm.at[pl.ds(c * NP, NP)], idx_v, sem),
        pltpu.make_async_copy(
            xt_hbm.at[pl.ds(c * BPC, BPC), pl.ds(s * CW, CW), :], xtv, sem),
    ]
    for cp in cps:
        cp.start()

    zeros16 = jnp.zeros((16,), jnp.float32)
    for f in range(CW):
        @plsc.parallel_loop(0, K // 16, 1, unroll=8)
        def zbody(i):
            acc_v[f, pl.ds(i * 16, 16)] = zeros16

    @plsc.parallel_loop(0, K // 16, 1, unroll=8)
    def zcbody(i):
        cacc_v[pl.ds(i * 16, 16)] = zeros16

    for cp in cps:
        cp.wait()

    for b in range(BPC):
        def sums_step(j, carry):
            rows0 = idx_v[pl.ds(b * NB + j * 32, 16)]
            rows1 = idx_v[pl.ds(b * NB + j * 32 + 16, 16)]

            @plsc.parallel_loop(0, CW, 1, unroll=CW)
            def fbody(f):
                fidx = jnp.full((16,), f, jnp.int32)
                vals0 = xtv[b, f, pl.ds(j * 32, 16)]
                vals1 = xtv[b, f, pl.ds(j * 32 + 16, 16)]
                plsc.addupdate_scatter(acc_v, [fidx, rows0], vals0)
                plsc.addupdate_scatter(acc_v, [fidx, rows1], vals1)

            return carry

        lax.fori_loop(0, NB // 32, sums_step, 0)

    ones = jnp.full((16,), 1.0, jnp.float32)

    def cnt_step(j, carry):
        rows = idx_v[pl.ds(j * 16, 16)]
        plsc.addupdate_scatter(cacc_v, [rows], ones)
        return carry

    lax.fori_loop(s * (PW // 16), (s + 1) * (PW // 16), cnt_step, 0)

    wps = [
        pltpu.make_async_copy(acc_v, sums_hbm.at[c, s], sem),
        pltpu.make_async_copy(cacc_v, cnts_hbm.at[c, s, 0], sem),
    ]
    for wp in wps:
        wp.start()
    for wp in wps:
        wp.wait()


@functools.cache
def _make_segment():
    return pl.kernel(
        _segment_body,
        mesh=plsc.VectorSubcoreMesh(core_axis_name="c", subcore_axis_name="s"),
        compiler_params=pltpu.CompilerParams(
            needs_layout_passes=False, disable_bounds_checks=True,
            use_tc_tiling_on_sc=True),
        out_type=[
            jax.ShapeDtypeStruct((NC, NS, CW, K), jnp.float32),
            jax.ShapeDtypeStruct((NC, NS, 1, K), jnp.float32),
        ],
        scratch_types=[
            pltpu.VMEM((NP,), jnp.int32),
            pltpu.VMEM((BPC, CW, NB), jnp.float32),
            pltpu.VMEM((CW, K), jnp.float32),
            pltpu.VMEM((K,), jnp.float32),
            pltpu.SemaphoreType.DMA,
        ],
    )


def _finalize_body(ct_ref, sums_ref, cnts_ref, colsum_ref, out1_ref, out2_ref):
    cnt = jnp.zeros((1, K), jnp.float32)
    for c in range(NC):
        for s in range(NS):
            cnt = cnt + cnts_ref[c, s]
    nonempty = cnt > 0.0
    safe = jnp.maximum(cnt, 1.0)
    deltas = jnp.zeros((1, K), jnp.float32)
    for s in range(NS):
        sg = sums_ref[0, s] + sums_ref[1, s]
        Cg = ct_ref[s * CW:(s + 1) * CW, :]
        ng = jnp.where(nonempty, sg / safe, Cg)
        deltas = deltas + jnp.sum(jnp.square(Cg - ng), axis=0, keepdims=True)
    sum_delta = jnp.sum(jnp.where(nonempty, deltas, 0.0))
    delta_k = jnp.sum(nonempty.astype(jnp.float32))
    avg = lax.dot_general(cnt, colsum_ref[...], (((1,), (0,)), ((), ())),
                          preferred_element_type=jnp.float32)[0, 0] / N
    out1_ref[0, 0] = sum_delta / delta_k
    out2_ref[0, 0] = avg


_finalize = pl.pallas_call(
    _finalize_body,
    grid=(1,),
    in_specs=[
        pl.BlockSpec((F, K), lambda i: (0, 0)),
        pl.BlockSpec((NC, NS, CW, K), lambda i: (0, 0, 0, 0)),
        pl.BlockSpec((NC, NS, 1, K), lambda i: (0, 0, 0, 0)),
        pl.BlockSpec((K, 1), lambda i: (0, 0)),
    ],
    out_specs=[
        pl.BlockSpec((1, 1), lambda i: (0, 0), memory_space=pltpu.SMEM),
        pl.BlockSpec((1, 1), lambda i: (0, 0), memory_space=pltpu.SMEM),
    ],
    out_shape=[
        jax.ShapeDtypeStruct((1, 1), jnp.float32),
        jax.ShapeDtypeStruct((1, 1), jnp.float32),
    ],
)


def kernel(x, centroids):
    nearest3, xt, ct, colsum = _assign(centroids, x)
    nearest = nearest3.reshape(N)
    sums_p, cnts_p = _make_segment()(xt, nearest)
    s1, s2 = _finalize(ct, sums_p, cnts_p, colsum)
    return (s1[0, 0], s2[0, 0])

# --- scband reference (transcript-rebuilt; emitter-appended) ---
"""Pipeline reference for scband-kmeans-clustering-45835890983208 (READ-ONLY COPY).

The authoritative reference and input builder live on the scoring server;
editing this copy changes nothing except your own understanding.
"""

import jax, jax.numpy as jnp
import numpy as np

NUM_CLUSTERS = 1024
NUM_FEATURES = 256
N_POINTS = 4096


def setup_inputs(seed: int = 0) -> dict:
    key = jax.random.key(seed)
    kx, kc = jax.random.split(key)
    x = jax.random.normal(kx, (N_POINTS, NUM_FEATURES), dtype=jnp.float32)
    # learned/stateful parameter: self.centroids = torch.randn(num_clusters, num_features)
    centroids = jax.random.normal(kc, (NUM_CLUSTERS, NUM_FEATURES), dtype=jnp.float32)
    return {"x": x, "centroids": centroids}


def _pairwise_sq_dist(centroids, x):
    # Mathematically identical to
    #   jnp.sum(jnp.square(x[None, :, :] - centroids[:, None, :]), axis=2)
    # but avoids materializing the [K, N, F] intermediate.
    c2 = jnp.sum(centroids * centroids, axis=1)[:, None]  # [K, 1]
    x2 = jnp.sum(x * x, axis=1)[None, :]                  # [1, N]
    return c2 + x2 - 2.0 * (centroids @ x.T)              # [K, N]


def reference(x, centroids):
    K = centroids.shape[0]
    N = x.shape[0]
    dist = _pairwise_sq_dist(centroids, x)          # [K, N]
    nearest = jnp.argmin(dist, axis=0)              # [N] cluster assignment per point
    # faithful to torch: dist[:, nearest] gathers columns indexed by cluster ids
    avg_dist = jnp.sum(jnp.take(dist, nearest, axis=1)) / N
    # per-cluster update loop -> segment reductions
    counts = jnp.bincount(nearest, length=K)                        # [K]
    sums = jax.ops.segment_sum(x, nearest, num_segments=K)          # [K, F]
    nonempty = counts > 0
    safe_counts = jnp.maximum(counts, 1).astype(x.dtype)[:, None]
    new_centers = jnp.where(nonempty[:, None], sums / safe_counts, centroids)
    deltas = jnp.sum(jnp.square(centroids - new_centers), axis=1)   # [K]
    sum_delta = jnp.sum(jnp.where(nonempty, deltas, jnp.zeros_like(deltas)))
    delta_k = jnp.sum(nonempty).astype(x.dtype)
    return (sum_delta / delta_k, avg_dist)

if __name__ == "__main__":
    import jax
    _d = setup_inputs()
    print(jax.jit(kernel)(*tuple(_d.values())))

</pallas_src>

<mosaic_0001>
#map = affine_map<(d0, d1) -> (0, 0, 0)>
#map1 = affine_map<(d0, d1) -> (0)>
#map2 = affine_map<(d0, d1) -> (0, 0, 0, 0)>
module attributes {stable_mosaic.version = 14 : i64} {
  func.func @_segment_body(%arg0: i32, %arg1: i32, %arg2: memref<2x256x2048xf32, #tpu.memory_space<hbm>>, %arg3: memref<4096xi32, #tpu.memory_space<hbm>>, %arg4: memref<2x16x16x1024xf32, #tpu.memory_space<hbm>>, %arg5: memref<2x16x1x1024xf32, #tpu.memory_space<hbm>>, %arg6: memref<2048xi32, #tpu.memory_space<vmem>>, %arg7: memref<1x16x2048xf32, #tpu.memory_space<vmem>>, %arg8: memref<16x1024xf32, #tpu.memory_space<vmem>>, %arg9: memref<1024xf32, #tpu.memory_space<vmem>>, %arg10: memref<!tpu.dma_semaphore, #tpu.memory_space<semaphore_mem>>) attributes {dimension_semantics = [#tpu.dimension_semantics<core_parallel>, #tpu.dimension_semantics<subcore_parallel>], iteration_bounds = array<i64: 2, 16>, scalar_prefetch = 0 : i64, scratch_operands = 5 : i64, tpu.core_type = #tpu.core_type<sc_vector_subcore>, window_params = [{transform_indices = #map}, {transform_indices = #map1}, {transform_indices = #map2}, {transform_indices = #map2}]} {
    %mul3A = arith.constant 2048 : i32
    %mul3A_0 = arith.muli %arg0, %mul3A : i32
    %mul3A_1 = arith.constant 1 : i32
    %mul3A_2 = arith.muli %arg0, %mul3A_1 : i32
    %mul3A_3 = arith.constant 16 : i32
    %mul3A_4 = arith.muli %arg1, %mul3A_3 : i32
    %dma_start3A = tpu.memref_slice %arg3[%mul3A_0] : memref<4096xi32, #tpu.memory_space<hbm>> -> memref<2048xi32, #tpu.memory_space<hbm>>
    %dma_start3A_5 = tpu.memref_slice %arg3[%mul3A_0] : memref<4096xi32, #tpu.memory_space<hbm>> -> memref<2048xi32, #tpu.memory_space<hbm>>
    tpu.enqueue_dma source(%dma_start3A_5 : memref<2048xi32, #tpu.memory_space<hbm>>) target(%arg6 : memref<2048xi32, #tpu.memory_space<vmem>>) target_semaphore(%arg10 : memref<!tpu.dma_semaphore, #tpu.memory_space<semaphore_mem>>)
    %dma_start3A_6 = arith.constant 0 : i32
    %dma_start3A_7 = tpu.memref_slice %arg2[%mul3A_2, %mul3A_4, %dma_start3A_6] : memref<2x256x2048xf32, #tpu.memory_space<hbm>> -> memref<1x16x2048xf32, #tpu.memory_space<hbm>>
    %dma_start3A_8 = arith.constant 0 : i32
    %dma_start3A_9 = tpu.memref_slice %arg2[%mul3A_2, %mul3A_4, %dma_start3A_8] : memref<2x256x2048xf32, #tpu.memory_space<hbm>> -> memref<1x16x2048xf32, #tpu.memory_space<hbm>>
    tpu.enqueue_dma source(%dma_start3A_9 : memref<1x16x2048xf32, #tpu.memory_space<hbm>>) target(%arg7 : memref<1x16x2048xf32, #tpu.memory_space<vmem>>) target_semaphore(%arg10 : memref<!tpu.dma_semaphore, #tpu.memory_space<semaphore_mem>>)
    %broadcast_in_dim3A = arith.constant 0.000000e+00 : f32
    %broadcast_in_dim3A_10 = vector.broadcast %broadcast_in_dim3A : f32 to vector<16xf32>
    %parallel_loop3A = arith.constant 0 : i32
    %parallel_loop3A_11 = arith.constant 64 : i32
    %parallel_loop3A_12 = arith.constant 1 : i32
    scf.for %parallel_loop3A_116 = %parallel_loop3A to %parallel_loop3A_11 step %parallel_loop3A_12  : i32 {
      %parallel_loop3A_117 = arith.constant 16 : i32
      %parallel_loop3A_118 = arith.muli %parallel_loop3A_116, %parallel_loop3A_117 : i32
      %parallel_loop3A_119 = arith.constant 0 : i32
      %parallel_loop3A_120 = arith.index_cast %parallel_loop3A_119 : i32 to index
      %parallel_loop3A_121 = arith.index_cast %parallel_loop3A_118 : i32 to index
      %parallel_loop3A_122 = tpu.vector_load %arg8[%parallel_loop3A_120, %parallel_loop3A_121] {strides = array<i32>} : memref<16x1024xf32, #tpu.memory_space<vmem>>, vector<16xf32>,
      tpu.vector_store %arg8[%parallel_loop3A_120, %parallel_loop3A_121], %broadcast_in_dim3A_10 {strides = array<i32>} : memref<16x1024xf32, #tpu.memory_space<vmem>>, vector<16xf32>,
    } {sc.loop_unroll_factor = 8 : i64, sc.parallel_access}
    %parallel_loop3A_13 = arith.constant 0 : i32
    %parallel_loop3A_14 = arith.constant 64 : i32
    %parallel_loop3A_15 = arith.constant 1 : i32
    scf.for %parallel_loop3A_116 = %parallel_loop3A_13 to %parallel_loop3A_14 step %parallel_loop3A_15  : i32 {
      %parallel_loop3A_117 = arith.constant 16 : i32
      %parallel_loop3A_118 = arith.muli %parallel_loop3A_116, %parallel_loop3A_117 : i32
      %parallel_loop3A_119 = arith.constant 1 : i32
      %parallel_loop3A_120 = arith.index_cast %parallel_loop3A_119 : i32 to index
      %parallel_loop3A_121 = arith.index_cast %parallel_loop3A_118 : i32 to index
      %parallel_loop3A_122 = tpu.vector_load %arg8[%parallel_loop3A_120, %parallel_loop3A_121] {strides = array<i32>} : memref<16x1024xf32, #tpu.memory_space<vmem>>, vector<16xf32>,
      tpu.vector_store %arg8[%parallel_loop3A_120, %parallel_loop3A_121], %broadcast_in_dim3A_10 {strides = array<i32>} : memref<16x1024xf32, #tpu.memory_space<vmem>>, vector<16xf32>,
    } {sc.loop_unroll_factor = 8 : i64, sc.parallel_access}
    %parallel_loop3A_16 = arith.constant 0 : i32
    %parallel_loop3A_17 = arith.constant 64 : i32
    %parallel_loop3A_18 = arith.constant 1 : i32
    scf.for %parallel_loop3A_116 = %parallel_loop3A_16 to %parallel_loop3A_17 step %parallel_loop3A_18  : i32 {
      %parallel_loop3A_117 = arith.constant 16 : i32
      %parallel_loop3A_118 = arith.muli %parallel_loop3A_116, %parallel_loop3A_117 : i32
      %parallel_loop3A_119 = arith.constant 2 : i32
      %parallel_loop3A_120 = arith.index_cast %parallel_loop3A_119 : i32 to index
      %parallel_loop3A_121 = arith.index_cast %parallel_loop3A_118 : i32 to index
      %parallel_loop3A_122 = tpu.vector_load %arg8[%parallel_loop3A_120, %parallel_loop3A_121] {strides = array<i32>} : memref<16x1024xf32, #tpu.memory_space<vmem>>, vector<16xf32>,
      tpu.vector_store %arg8[%parallel_loop3A_120, %parallel_loop3A_121], %broadcast_in_dim3A_10 {strides = array<i32>} : memref<16x1024xf32, #tpu.memory_space<vmem>>, vector<16xf32>,
    } {sc.loop_unroll_factor = 8 : i64, sc.parallel_access}
    %parallel_loop3A_19 = arith.constant 0 : i32
    %parallel_loop3A_20 = arith.constant 64 : i32
    %parallel_loop3A_21 = arith.constant 1 : i32
    scf.for %parallel_loop3A_116 = %parallel_loop3A_19 to %parallel_loop3A_20 step %parallel_loop3A_21  : i32 {
      %parallel_loop3A_117 = arith.constant 16 : i32
      %parallel_loop3A_118 = arith.muli %parallel_loop3A_116, %parallel_loop3A_117 : i32
      %parallel_loop3A_119 = arith.constant 3 : i32
      %parallel_loop3A_120 = arith.index_cast %parallel_loop3A_119 : i32 to index
      %parallel_loop3A_121 = arith.index_cast %parallel_loop3A_118 : i32 to index
      %parallel_loop3A_122 = tpu.vector_load %arg8[%parallel_loop3A_120, %parallel_loop3A_121] {strides = array<i32>} : memref<16x1024xf32, #tpu.memory_space<vmem>>, vector<16xf32>,
      tpu.vector_store %arg8[%parallel_loop3A_120, %parallel_loop3A_121], %broadcast_in_dim3A_10 {strides = array<i32>} : memref<16x1024xf32, #tpu.memory_space<vmem>>, vector<16xf32>,
    } {sc.loop_unroll_factor = 8 : i64, sc.parallel_access}
    %parallel_loop3A_22 = arith.constant 0 : i32
    %parallel_loop3A_23 = arith.constant 64 : i32
    %parallel_loop3A_24 = arith.constant 1 : i32
    scf.for %parallel_loop3A_116 = %parallel_loop3A_22 to %parallel_loop3A_23 step %parallel_loop3A_24  : i32 {
      %parallel_loop3A_117 = arith.constant 16 : i32
      %parallel_loop3A_118 = arith.muli %parallel_loop3A_116, %parallel_loop3A_117 : i32
      %parallel_loop3A_119 = arith.constant 4 : i32
      %parallel_loop3A_120 = arith.index_cast %parallel_loop3A_119 : i32 to index
      %parallel_loop3A_121 = arith.index_cast %parallel_loop3A_118 : i32 to index
      %parallel_loop3A_122 = tpu.vector_load %arg8[%parallel_loop3A_120, %parallel_loop3A_121] {strides = array<i32>} : memref<16x1024xf32, #tpu.memory_space<vmem>>, vector<16xf32>,
      tpu.vector_store %arg8[%parallel_loop3A_120, %parallel_loop3A_121], %broadcast_in_dim3A_10 {strides = array<i32>} : memref<16x1024xf32, #tpu.memory_space<vmem>>, vector<16xf32>,
    } {sc.loop_unroll_factor = 8 : i64, sc.parallel_access}
    %parallel_loop3A_25 = arith.constant 0 : i32
    %parallel_loop3A_26 = arith.constant 64 : i32
    %parallel_loop3A_27 = arith.constant 1 : i32
    scf.for %parallel_loop3A_116 = %parallel_loop3A_25 to %parallel_loop3A_26 step %parallel_loop3A_27  : i32 {
      %parallel_loop3A_117 = arith.constant 16 : i32
      %parallel_loop3A_118 = arith.muli %parallel_loop3A_116, %parallel_loop3A_117 : i32
      %parallel_loop3A_119 = arith.constant 5 : i32
      %parallel_loop3A_120 = arith.index_cast %parallel_loop3A_119 : i32 to index
      %parallel_loop3A_121 = arith.index_cast %parallel_loop3A_118 : i32 to index
      %parallel_loop3A_122 = tpu.vector_load %arg8[%parallel_loop3A_120, %parallel_loop3A_121] {strides = array<i32>} : memref<16x1024xf32, #tpu.memory_space<vmem>>, vector<16xf32>,
      tpu.vector_store %arg8[%parallel_loop3A_120, %parallel_loop3A_121], %broadcast_in_dim3A_10 {strides = array<i32>} : memref<16x1024xf32, #tpu.memory_space<vmem>>, vector<16xf32>,
    } {sc.loop_unroll_factor = 8 : i64, sc.parallel_access}
    %parallel_loop3A_28 = arith.constant 0 : i32
    %parallel_loop3A_29 = arith.constant 64 : i32
    %parallel_loop3A_30 = arith.constant 1 : i32
    scf.for %parallel_loop3A_116 = %parallel_loop3A_28 to %parallel_loop3A_29 step %parallel_loop3A_30  : i32 {
      %parallel_loop3A_117 = arith.constant 16 : i32
      %parallel_loop3A_118 = arith.muli %parallel_loop3A_116, %parallel_loop3A_117 : i32
      %parallel_loop3A_119 = arith.constant 6 : i32
      %parallel_loop3A_120 = arith.index_cast %parallel_loop3A_119 : i32 to index
      %parallel_loop3A_121 = arith.index_cast %parallel_loop3A_118 : i32 to index
      %parallel_loop3A_122 = tpu.vector_load %arg8[%parallel_loop3A_120, %parallel_loop3A_121] {strides = array<i32>} : memref<16x1024xf32, #tpu.memory_space<vmem>>, vector<16xf32>,
      tpu.vector_store %arg8[%parallel_loop3A_120, %parallel_loop3A_121], %broadcast_in_dim3A_10 {strides = array<i32>} : memref<16x1024xf32, #tpu.memory_space<vmem>>, vector<16xf32>,
    } {sc.loop_unroll_factor = 8 : i64, sc.parallel_access}
    %parallel_loop3A_31 = arith.constant 0 : i32
    %parallel_loop3A_32 = arith.constant 64 : i32
    %parallel_loop3A_33 = arith.constant 1 : i32
    scf.for %parallel_loop3A_116 = %parallel_loop3A_31 to %parallel_loop3A_32 step %parallel_loop3A_33  : i32 {
      %parallel_loop3A_117 = arith.constant 16 : i32
      %parallel_loop3A_118 = arith.muli %parallel_loop3A_116, %parallel_loop3A_117 : i32
      %parallel_loop3A_119 = arith.constant 7 : i32
      %parallel_loop3A_120 = arith.index_cast %parallel_loop3A_119 : i32 to index
      %parallel_loop3A_121 = arith.index_cast %parallel_loop3A_118 : i32 to index
      %parallel_loop3A_122 = tpu.vector_load %arg8[%parallel_loop3A_120, %parallel_loop3A_121] {strides = array<i32>} : memref<16x1024xf32, #tpu.memory_space<vmem>>, vector<16xf32>,
      tpu.vector_store %arg8[%parallel_loop3A_120, %parallel_loop3A_121], %broadcast_in_dim3A_10 {strides = array<i32>} : memref<16x1024xf32, #tpu.memory_space<vmem>>, vector<16xf32>,
    } {sc.loop_unroll_factor = 8 : i64, sc.parallel_access}
    %parallel_loop3A_34 = arith.constant 0 : i32
    %parallel_loop3A_35 = arith.constant 64 : i32
    %parallel_loop3A_36 = arith.constant 1 : i32
    scf.for %parallel_loop3A_116 = %parallel_loop3A_34 to %parallel_loop3A_35 step %parallel_loop3A_36  : i32 {
      %parallel_loop3A_117 = arith.constant 16 : i32
      %parallel_loop3A_118 = arith.muli %parallel_loop3A_116, %parallel_loop3A_117 : i32
      %parallel_loop3A_119 = arith.constant 8 : i32
      %parallel_loop3A_120 = arith.index_cast %parallel_loop3A_119 : i32 to index
      %parallel_loop3A_121 = arith.index_cast %parallel_loop3A_118 : i32 to index
      %parallel_loop3A_122 = tpu.vector_load %arg8[%parallel_loop3A_120, %parallel_loop3A_121] {strides = array<i32>} : memref<16x1024xf32, #tpu.memory_space<vmem>>, vector<16xf32>,
      tpu.vector_store %arg8[%parallel_loop3A_120, %parallel_loop3A_121], %broadcast_in_dim3A_10 {strides = array<i32>} : memref<16x1024xf32, #tpu.memory_space<vmem>>, vector<16xf32>,
    } {sc.loop_unroll_factor = 8 : i64, sc.parallel_access}
    %parallel_loop3A_37 = arith.constant 0 : i32
    %parallel_loop3A_38 = arith.constant 64 : i32
    %parallel_loop3A_39 = arith.constant 1 : i32
    scf.for %parallel_loop3A_116 = %parallel_loop3A_37 to %parallel_loop3A_38 step %parallel_loop3A_39  : i32 {
      %parallel_loop3A_117 = arith.constant 16 : i32
      %parallel_loop3A_118 = arith.muli %parallel_loop3A_116, %parallel_loop3A_117 : i32
      %parallel_loop3A_119 = arith.constant 9 : i32
      %parallel_loop3A_120 = arith.index_cast %parallel_loop3A_119 : i32 to index
      %parallel_loop3A_121 = arith.index_cast %parallel_loop3A_118 : i32 to index
      %parallel_loop3A_122 = tpu.vector_load %arg8[%parallel_loop3A_120, %parallel_loop3A_121] {strides = array<i32>} : memref<16x1024xf32, #tpu.memory_space<vmem>>, vector<16xf32>,
      tpu.vector_store %arg8[%parallel_loop3A_120, %parallel_loop3A_121], %broadcast_in_dim3A_10 {strides = array<i32>} : memref<16x1024xf32, #tpu.memory_space<vmem>>, vector<16xf32>,
    } {sc.loop_unroll_factor = 8 : i64, sc.parallel_access}
    %parallel_loop3A_40 = arith.constant 0 : i32
    %parallel_loop3A_41 = arith.constant 64 : i32
    %parallel_loop3A_42 = arith.constant 1 : i32
    scf.for %parallel_loop3A_116 = %parallel_loop3A_40 to %parallel_loop3A_41 step %parallel_loop3A_42  : i32 {
      %parallel_loop3A_117 = arith.constant 16 : i32
      %parallel_loop3A_118 = arith.muli %parallel_loop3A_116, %parallel_loop3A_117 : i32
      %parallel_loop3A_119 = arith.constant 10 : i32
      %parallel_loop3A_120 = arith.index_cast %parallel_loop3A_119 : i32 to index
      %parallel_loop3A_121 = arith.index_cast %parallel_loop3A_118 : i32 to index
      %parallel_loop3A_122 = tpu.vector_load %arg8[%parallel_loop3A_120, %parallel_loop3A_121] {strides = array<i32>} : memref<16x1024xf32, #tpu.memory_space<vmem>>, vector<16xf32>,
      tpu.vector_store %arg8[%parallel_loop3A_120, %parallel_loop3A_121], %broadcast_in_dim3A_10 {strides = array<i32>} : memref<16x1024xf32, #tpu.memory_space<vmem>>, vector<16xf32>,
    } {sc.loop_unroll_factor = 8 : i64, sc.parallel_access}
    %parallel_loop3A_43 = arith.constant 0 : i32
    %parallel_loop3A_44 = arith.constant 64 : i32
    %parallel_loop3A_45 = arith.constant 1 : i32
    scf.for %parallel_loop3A_116 = %parallel_loop3A_43 to %parallel_loop3A_44 step %parallel_loop3A_45  : i32 {
      %parallel_loop3A_117 = arith.constant 16 : i32
      %parallel_loop3A_118 = arith.muli %parallel_loop3A_116, %parallel_loop3A_117 : i32
      %parallel_loop3A_119 = arith.constant 11 : i32
      %parallel_loop3A_120 = arith.index_cast %parallel_loop3A_119 : i32 to index
      %parallel_loop3A_121 = arith.index_cast %parallel_loop3A_118 : i32 to index
      %parallel_loop3A_122 = tpu.vector_load %arg8[%parallel_loop3A_120, %parallel_loop3A_121] {strides = array<i32>} : memref<16x1024xf32, #tpu.memory_space<vmem>>, vector<16xf32>,
      tpu.vector_store %arg8[%parallel_loop3A_120, %parallel_loop3A_121], %broadcast_in_dim3A_10 {strides = array<i32>} : memref<16x1024xf32, #tpu.memory_space<vmem>>, vector<16xf32>,
    } {sc.loop_unroll_factor = 8 : i64, sc.parallel_access}
    %parallel_loop3A_46 = arith.constant 0 : i32
    %parallel_loop3A_47 = arith.constant 64 : i32
    %parallel_loop3A_48 = arith.constant 1 : i32
    scf.for %parallel_loop3A_116 = %parallel_loop3A_46 to %parallel_loop3A_47 step %parallel_loop3A_48  : i32 {
      %parallel_loop3A_117 = arith.constant 16 : i32
      %parallel_loop3A_118 = arith.muli %parallel_loop3A_116, %parallel_loop3A_117 : i32
      %parallel_loop3A_119 = arith.constant 12 : i32
      %parallel_loop3A_120 = arith.index_cast %parallel_loop3A_119 : i32 to index
      %parallel_loop3A_121 = arith.index_cast %parallel_loop3A_118 : i32 to index
      %parallel_loop3A_122 = tpu.vector_load %arg8[%parallel_loop3A_120, %parallel_loop3A_121] {strides = array<i32>} : memref<16x1024xf32, #tpu.memory_space<vmem>>, vector<16xf32>,
      tpu.vector_store %arg8[%parallel_loop3A_120, %parallel_loop3A_121], %broadcast_in_dim3A_10 {strides = array<i32>} : memref<16x1024xf32, #tpu.memory_space<vmem>>, vector<16xf32>,
    } {sc.loop_unroll_factor = 8 : i64, sc.parallel_access}
    %parallel_loop3A_49 = arith.constant 0 : i32
    %parallel_loop3A_50 = arith.constant 64 : i32
    %parallel_loop3A_51 = arith.constant 1 : i32
    scf.for %parallel_loop3A_116 = %parallel_loop3A_49 to %parallel_loop3A_50 step %parallel_loop3A_51  : i32 {
      %parallel_loop3A_117 = arith.constant 16 : i32
      %parallel_loop3A_118 = arith.muli %parallel_loop3A_116, %parallel_loop3A_117 : i32
      %parallel_loop3A_119 = arith.constant 13 : i32
      %parallel_loop3A_120 = arith.index_cast %parallel_loop3A_119 : i32 to index
      %parallel_loop3A_121 = arith.index_cast %parallel_loop3A_118 : i32 to index
      %parallel_loop3A_122 = tpu.vector_load %arg8[%parallel_loop3A_120, %parallel_loop3A_121] {strides = array<i32>} : memref<16x1024xf32, #tpu.memory_space<vmem>>, vector<16xf32>,
      tpu.vector_store %arg8[%parallel_loop3A_120, %parallel_loop3A_121], %broadcast_in_dim3A_10 {strides = array<i32>} : memref<16x1024xf32, #tpu.memory_space<vmem>>, vector<16xf32>,
    } {sc.loop_unroll_factor = 8 : i64, sc.parallel_access}
    %parallel_loop3A_52 = arith.constant 0 : i32
    %parallel_loop3A_53 = arith.constant 64 : i32
    %parallel_loop3A_54 = arith.constant 1 : i32
    scf.for %parallel_loop3A_116 = %parallel_loop3A_52 to %parallel_loop3A_53 step %parallel_loop3A_54  : i32 {
      %parallel_loop3A_117 = arith.constant 16 : i32
      %parallel_loop3A_118 = arith.muli %parallel_loop3A_116, %parallel_loop3A_117 : i32
      %parallel_loop3A_119 = arith.constant 14 : i32
      %parallel_loop3A_120 = arith.index_cast %parallel_loop3A_119 : i32 to index
      %parallel_loop3A_121 = arith.index_cast %parallel_loop3A_118 : i32 to index
      %parallel_loop3A_122 = tpu.vector_load %arg8[%parallel_loop3A_120, %parallel_loop3A_121] {strides = array<i32>} : memref<16x1024xf32, #tpu.memory_space<vmem>>, vector<16xf32>,
      tpu.vector_store %arg8[%parallel_loop3A_120, %parallel_loop3A_121], %broadcast_in_dim3A_10 {strides = array<i32>} : memref<16x1024xf32, #tpu.memory_space<vmem>>, vector<16xf32>,
    } {sc.loop_unroll_factor = 8 : i64, sc.parallel_access}
    %parallel_loop3A_55 = arith.constant 0 : i32
    %parallel_loop3A_56 = arith.constant 64 : i32
    %parallel_loop3A_57 = arith.constant 1 : i32
    scf.for %parallel_loop3A_116 = %parallel_loop3A_55 to %parallel_loop3A_56 step %parallel_loop3A_57  : i32 {
      %parallel_loop3A_117 = arith.constant 16 : i32
      %parallel_loop3A_118 = arith.muli %parallel_loop3A_116, %parallel_loop3A_117 : i32
      %parallel_loop3A_119 = arith.constant 15 : i32
      %parallel_loop3A_120 = arith.index_cast %parallel_loop3A_119 : i32 to index
      %parallel_loop3A_121 = arith.index_cast %parallel_loop3A_118 : i32 to index
      %parallel_loop3A_122 = tpu.vector_load %arg8[%parallel_loop3A_120, %parallel_loop3A_121] {strides = array<i32>} : memref<16x1024xf32, #tpu.memory_space<vmem>>, vector<16xf32>,
      tpu.vector_store %arg8[%parallel_loop3A_120, %parallel_loop3A_121], %broadcast_in_dim3A_10 {strides = array<i32>} : memref<16x1024xf32, #tpu.memory_space<vmem>>, vector<16xf32>,
    } {sc.loop_unroll_factor = 8 : i64, sc.parallel_access}
    %parallel_loop3A_58 = arith.constant 0 : i32
    %parallel_loop3A_59 = arith.constant 64 : i32
    %parallel_loop3A_60 = arith.constant 1 : i32
    scf.for %parallel_loop3A_116 = %parallel_loop3A_58 to %parallel_loop3A_59 step %parallel_loop3A_60  : i32 {
      %parallel_loop3A_117 = arith.constant 16 : i32
      %parallel_loop3A_118 = arith.muli %parallel_loop3A_116, %parallel_loop3A_117 : i32
      %parallel_loop3A_119 = arith.index_cast %parallel_loop3A_118 : i32 to index
      %parallel_loop3A_120 = tpu.vector_load %arg9[%parallel_loop3A_119] {strides = array<i32>} : memref<1024xf32, #tpu.memory_space<vmem>>, vector<16xf32>,
      tpu.vector_store %arg9[%parallel_loop3A_119], %broadcast_in_dim3A_10 {strides = array<i32>} : memref<1024xf32, #tpu.memory_space<vmem>>, vector<16xf32>,
    } {sc.loop_unroll_factor = 8 : i64, sc.parallel_access}
    %dma_wait3A = tpu.memref_slice %arg3[%mul3A_0] : memref<4096xi32, #tpu.memory_space<hbm>> -> memref<2048xi32, #tpu.memory_space<hbm>>
    %dma_wait3A_61 = tpu.memref_slice %arg3[%mul3A_0] : memref<4096xi32, #tpu.memory_space<hbm>> -> memref<2048xi32, #tpu.memory_space<hbm>>
    tpu.wait_dma2 semaphore(%arg10 : memref<!tpu.dma_semaphore, #tpu.memory_space<semaphore_mem>>) src(%dma_wait3A_61 : memref<2048xi32, #tpu.memory_space<hbm>>) dst(%arg6 : memref<2048xi32, #tpu.memory_space<vmem>>)
    %dma_wait3A_62 = arith.constant 0 : i32
    %dma_wait3A_63 = tpu.memref_slice %arg2[%mul3A_2, %mul3A_4, %dma_wait3A_62] : memref<2x256x2048xf32, #tpu.memory_space<hbm>> -> memref<1x16x2048xf32, #tpu.memory_space<hbm>>
    %dma_wait3A_64 = arith.constant 0 : i32
    %dma_wait3A_65 = tpu.memref_slice %arg2[%mul3A_2, %mul3A_4, %dma_wait3A_64] : memref<2x256x2048xf32, #tpu.memory_space<hbm>> -> memref<1x16x2048xf32, #tpu.memory_space<hbm>>
    tpu.wait_dma2 semaphore(%arg10 : memref<!tpu.dma_semaphore, #tpu.memory_space<semaphore_mem>>) src(%dma_wait3A_65 : memref<1x16x2048xf32, #tpu.memory_space<hbm>>) dst(%arg7 : memref<1x16x2048xf32, #tpu.memory_space<vmem>>)
    %scan3A = arith.constant 0 : i32
    %scan3A_66 = arith.constant 0 : i32
    %scan3A_67 = arith.constant 64 : i32
    %scan3A_68 = arith.addi %scan3A_66, %scan3A_67 : i32
    %scan3A_69 = arith.constant 1 : i32
    scf.for %scan3A_116 = %scan3A_66 to %scan3A_68 step %scan3A_69  : i32 {
      %mul3A_117 = arith.constant 32 : i32
      %mul3A_118 = arith.muli %scan3A_116, %mul3A_117 : i32
      %add3A_119 = arith.constant 0 : i32
      %add3A_120 = arith.addi %add3A_119, %mul3A_118 : i32
      %get3A = arith.index_cast %add3A_120 : i32 to index
      %get3A_121 = tpu.vector_load %arg6[%get3A] {strides = array<i32>} : memref<2048xi32, #tpu.memory_space<vmem>>, vector<16xi32>,
      %mul3A_122 = arith.constant 32 : i32
      %mul3A_123 = arith.muli %scan3A_116, %mul3A_122 : i32
      %add3A_124 = arith.constant 0 : i32
      %add3A_125 = arith.addi %add3A_124, %mul3A_123 : i32
      %add3A_126 = arith.constant 16 : i32
      %add3A_127 = arith.addi %add3A_125, %add3A_126 : i32
      %get3A_128 = arith.index_cast %add3A_127 : i32 to index
      %get3A_129 = tpu.vector_load %arg6[%get3A_128] {strides = array<i32>} : memref<2048xi32, #tpu.memory_space<vmem>>, vector<16xi32>,
      %parallel_loop3A_130 = arith.constant 0 : i32
      %parallel_loop3A_131 = arith.constant 16 : i32
      %parallel_loop3A_132 = arith.constant 1 : i32
      scf.for %parallel_loop3A_133 = %parallel_loop3A_130 to %parallel_loop3A_131 step %parallel_loop3A_132  : i32 {
        %parallel_loop3A_134 = vector.broadcast %parallel_loop3A_133 : i32 to vector<16xi32>
        %parallel_loop3A_135 = arith.constant 32 : i32
        %parallel_loop3A_136 = arith.muli %scan3A_116, %parallel_loop3A_135 : i32
        %parallel_loop3A_137 = arith.constant 0 : i32
        %parallel_loop3A_138 = arith.index_cast %parallel_loop3A_137 : i32 to index
        %parallel_loop3A_139 = arith.index_cast %parallel_loop3A_133 : i32 to index
        %parallel_loop3A_140 = arith.index_cast %parallel_loop3A_136 : i32 to index
        %parallel_loop3A_141 = tpu.vector_load %arg7[%parallel_loop3A_138, %parallel_loop3A_139, %parallel_loop3A_140] {strides = array<i32>} : memref<1x16x2048xf32, #tpu.memory_space<vmem>>, vector<16xf32>,
        %parallel_loop3A_142 = arith.constant 32 : i32
        %parallel_loop3A_143 = arith.muli %scan3A_116, %parallel_loop3A_142 : i32
        %parallel_loop3A_144 = arith.constant 16 : i32
        %parallel_loop3A_145 = arith.addi %parallel_loop3A_143, %parallel_loop3A_144 : i32
        %parallel_loop3A_146 = arith.constant 0 : i32
        %parallel_loop3A_147 = arith.index_cast %parallel_loop3A_146 : i32 to index
        %parallel_loop3A_148 = arith.index_cast %parallel_loop3A_133 : i32 to index
        %parallel_loop3A_149 = arith.index_cast %parallel_loop3A_145 : i32 to index
        %parallel_loop3A_150 = tpu.vector_load %arg7[%parallel_loop3A_147, %parallel_loop3A_148, %parallel_loop3A_149] {strides = array<i32>} : memref<1x16x2048xf32, #tpu.memory_space<vmem>>, vector<16xf32>,
        tpu.vector_store_idx %arg8[%parallel_loop3A_134, %get3A_121], %parallel_loop3A_141 {add = true} : memref<16x1024xf32, #tpu.memory_space<vmem>>[vector<16xi32>, vector<16xi32>], vector<16xf32>,
        tpu.vector_store_idx %arg8[%parallel_loop3A_134, %get3A_129], %parallel_loop3A_150 {add = true} : memref<16x1024xf32, #tpu.memory_space<vmem>>[vector<16xi32>, vector<16xi32>], vector<16xf32>,
      } {sc.loop_unroll_factor = 16 : i64, sc.parallel_access}
    }
    %scan3A_70 = arith.constant 64 : i32
    %broadcast_in_dim3A_71 = arith.constant 1.000000e+00 : f32
    %broadcast_in_dim3A_72 = vector.broadcast %broadcast_in_dim3A_71 : f32 to vector<16xf32>
    %mul3A_73 = arith.constant 8 : i32
    %mul3A_74 = arith.muli %arg1, %mul3A_73 : i32
    %add3A = arith.constant 1 : i32
    %add3A_75 = arith.addi %arg1, %add3A : i32
    %mul3A_76 = arith.constant 8 : i32
    %mul3A_77 = arith.muli %add3A_75, %mul3A_76 : i32
    %while3A = arith.constant 0 : i32
    %while3A_78 = arith.subi %mul3A_77, %mul3A_74 : i32
    %while3A_79 = arith.addi %mul3A_74, %while3A_78 : i32
    %while3A_80 = arith.constant 1 : i32
    %while3A_81 = arith.divsi %while3A_78, %while3A_80 : i32
    %while3A_82 = arith.muli %while3A_81, %while3A_80 : i32
    %while3A_83 = arith.addi %mul3A_74, %while3A_82 : i32
    %while3A_84 = arith.constant 1 : i32
    scf.for %while3A_116 = %mul3A_74 to %while3A_83 step %while3A_84  : i32 {
      %mul3A_117 = arith.constant 16 : i32
      %mul3A_118 = arith.muli %while3A_116, %mul3A_117 : i32
      %get3A = arith.index_cast %mul3A_118 : i32 to index
      %get3A_119 = tpu.vector_load %arg6[%get3A] {strides = array<i32>} : memref<2048xi32, #tpu.memory_space<vmem>>, vector<16xi32>,
      tpu.vector_store_idx %arg9[%get3A_119], %broadcast_in_dim3A_72 {add = true} : memref<1024xf32, #tpu.memory_space<vmem>>[vector<16xi32>], vector<16xf32>,
    }
    %while3A_85 = arith.constant 1 : i32
    scf.for %while3A_116 = %while3A_83 to %while3A_79 step %while3A_85  : i32 {
      %mul3A_117 = arith.constant 16 : i32
      %mul3A_118 = arith.muli %while3A_116, %mul3A_117 : i32
      %get3A = arith.index_cast %mul3A_118 : i32 to index
      %get3A_119 = tpu.vector_load %arg6[%get3A] {strides = array<i32>} : memref<2048xi32, #tpu.memory_space<vmem>>, vector<16xi32>,
      tpu.vector_store_idx %arg9[%get3A_119], %broadcast_in_dim3A_72 {add = true} : memref<1024xf32, #tpu.memory_space<vmem>>[vector<16xi32>], vector<16xf32>,
    }
    %dma_start3A_86 = arith.constant 0 : i32
    %dma_start3A_87 = arith.constant 0 : i32
    %dma_start3A_88 = tpu.memref_slice %arg4[%arg0, %arg1, %dma_start3A_86, %dma_start3A_87] : memref<2x16x16x1024xf32, #tpu.memory_space<hbm>> -> memref<1x1x16x1024xf32, #tpu.memory_space<hbm>>
    %dma_start3A_89 = tpu.memref_squeeze %dma_start3A_88 : memref<1x1x16x1024xf32, #tpu.memory_space<hbm>> -> memref<16x1024xf32, #tpu.memory_space<hbm>>
    %dma_start3A_90 = arith.constant 0 : i32
    %dma_start3A_91 = arith.constant 0 : i32
    %dma_start3A_92 = tpu.memref_slice %arg4[%arg0, %arg1, %dma_start3A_90, %dma_start3A_91] : memref<2x16x16x1024xf32, #tpu.memory_space<hbm>> -> memref<1x1x16x1024xf32, #tpu.memory_space<hbm>>
    %dma_start3A_93 = tpu.memref_squeeze %dma_start3A_92 : memref<1x1x16x1024xf32, #tpu.memory_space<hbm>> -> memref<16x1024xf32, #tpu.memory_space<hbm>>
    tpu.enqueue_dma source(%arg8 : memref<16x1024xf32, #tpu.memory_space<vmem>>) target(%dma_start3A_93 : memref<16x1024xf32, #tpu.memory_space<hbm>>) target_semaphore(%arg10 : memref<!tpu.dma_semaphore, #tpu.memory_space<semaphore_mem>>)
    %dma_start3A_94 = arith.constant 0 : i32
    %dma_start3A_95 = arith.constant 0 : i32
    %dma_start3A_96 = tpu.memref_slice %arg5[%arg0, %arg1, %dma_start3A_94, %dma_start3A_95] : memref<2x16x1x1024xf32, #tpu.memory_space<hbm>> -> memref<1x1x1x1024xf32, #tpu.memory_space<hbm>>
    %dma_start3A_97 = tpu.memref_squeeze %dma_start3A_96 : memref<1x1x1x1024xf32, #tpu.memory_space<hbm>> -> memref<1024xf32, #tpu.memory_space<hbm>>
    %dma_start3A_98 = arith.constant 0 : i32
    %dma_start3A_99 = tpu.memref_slice %arg5[%arg0, %arg1, %dma_start3A_94, %dma_start3A_98] : memref<2x16x1x1024xf32, #tpu.memory_space<hbm>> -> memref<1x1x1x1024xf32, #tpu.memory_space<hbm>>
    %dma_start3A_100 = tpu.memref_squeeze %dma_start3A_99 : memref<1x1x1x1024xf32, #tpu.memory_space<hbm>> -> memref<1024xf32, #tpu.memory_space<hbm>>
    tpu.enqueue_dma source(%arg9 : memref<1024xf32, #tpu.memory_space<vmem>>) target(%dma_start3A_100 : memref<1024xf32, #tpu.memory_space<hbm>>) target_semaphore(%arg10 : memref<!tpu.dma_semaphore, #tpu.memory_space<semaphore_mem>>)
    %dma_wait3A_101 = arith.constant 0 : i32
    %dma_wait3A_102 = arith.constant 0 : i32
    %dma_wait3A_103 = tpu.memref_slice %arg4[%arg0, %arg1, %dma_wait3A_101, %dma_wait3A_102] : memref<2x16x16x1024xf32, #tpu.memory_space<hbm>> -> memref<1x1x16x1024xf32, #tpu.memory_space<hbm>>
    %dma_wait3A_104 = tpu.memref_squeeze %dma_wait3A_103 : memref<1x1x16x1024xf32, #tpu.memory_space<hbm>> -> memref<16x1024xf32, #tpu.memory_space<hbm>>
    %dma_wait3A_105 = arith.constant 0 : i32
    %dma_wait3A_106 = arith.constant 0 : i32
    %dma_wait3A_107 = tpu.memref_slice %arg4[%arg0, %arg1, %dma_wait3A_105, %dma_wait3A_106] : memref<2x16x16x1024xf32, #tpu.memory_space<hbm>> -> memref<1x1x16x1024xf32, #tpu.memory_space<hbm>>
    %dma_wait3A_108 = tpu.memref_squeeze %dma_wait3A_107 : memref<1x1x16x1024xf32, #tpu.memory_space<hbm>> -> memref<16x1024xf32, #tpu.memory_space<hbm>>
    tpu.wait_dma2 semaphore(%arg10 : memref<!tpu.dma_semaphore, #tpu.memory_space<semaphore_mem>>) src(%arg8 : memref<16x1024xf32, #tpu.memory_space<vmem>>) dst(%dma_wait3A_108 : memref<16x1024xf32, #tpu.memory_space<hbm>>)
    %dma_wait3A_109 = arith.constant 0 : i32
    %dma_wait3A_110 = arith.constant 0 : i32
    %dma_wait3A_111 = tpu.memref_slice %arg5[%arg0, %arg1, %dma_wait3A_109, %dma_wait3A_110] : memref<2x16x1x1024xf32, #tpu.memory_space<hbm>> -> memref<1x1x1x1024xf32, #tpu.memory_space<hbm>>
    %dma_wait3A_112 = tpu.memref_squeeze %dma_wait3A_111 : memref<1x1x1x1024xf32, #tpu.memory_space<hbm>> -> memref<1024xf32, #tpu.memory_space<hbm>>
    %dma_wait3A_113 = arith.constant 0 : i32
    %dma_wait3A_114 = tpu.memref_slice %arg5[%arg0, %arg1, %dma_wait3A_109, %dma_wait3A_113] : memref<2x16x1x1024xf32, #tpu.memory_space<hbm>> -> memref<1x1x1x1024xf32, #tpu.memory_space<hbm>>
    %dma_wait3A_115 = tpu.memref_squeeze %dma_wait3A_114 : memref<1x1x1x1024xf32, #tpu.memory_space<hbm>> -> memref<1024xf32, #tpu.memory_space<hbm>>
    tpu.wait_dma2 semaphore(%arg10 : memref<!tpu.dma_semaphore, #tpu.memory_space<semaphore_mem>>) src(%arg9 : memref<1024xf32, #tpu.memory_space<vmem>>) dst(%dma_wait3A_115 : memref<1024xf32, #tpu.memory_space<hbm>>)
    return
  }
}

module attributes {stable_mosaic.version = 14 : i64} {
  func.func @_assign_body(%arg0: i32, %arg1: memref<1024x256xf32, #tpu.memory_space<vmem>>, %arg2: memref<2048x256xf32, #tpu.memory_space<vmem>>, %arg3: memref<1x1x2048xi32, #tpu.memory_space<vmem>>, %arg4: memref<1x256x2048xf32, #tpu.memory_space<vmem>>, %arg5: memref<256x1024xf32, #tpu.memory_space<vmem>>, %arg6: memref<1024x1xf32, #tpu.memory_space<vmem>>) attributes {dimension_semantics = [#tpu.dimension_semantics<arbitrary>], iteration_bounds = array<i64: 2>, scalar_prefetch = 0 : i64, scratch_operands = 0 : i64, tpu.core_type = #tpu.core_type<tc>, window_params = [{pipeline_mode = #tpu.pipeline_mode<synchronous>, transform_indices = @transform_0, window_bounds = array<i64: 1024, 256>}, {transform_indices = @transform_1, window_bounds = array<i64: 2048, 256>}, {transform_indices = @transform_2, window_bounds = array<i64: 1, 1, 2048>}, {transform_indices = @transform_3, window_bounds = array<i64: 1, 256, 2048>}, {pipeline_mode = #tpu.pipeline_mode<synchronous>, transform_indices = @transform_4, window_bounds = array<i64: 256, 1024>}, {pipeline_mode = #tpu.pipeline_mode<synchronous>, transform_indices = @transform_5, window_bounds = array<i64: 1024, 1>}]} {
    %get3A = arith.constant 0 : index
    %get3A_0 = arith.constant 0 : index
    %get3A_1 = vector.load %arg1[%get3A, %get3A_0] : memref<1024x256xf32, #tpu.memory_space<vmem>>, vector<1024x256xf32>
    %get3A_2 = arith.constant 0 : index
    %get3A_3 = arith.constant 0 : index
    %get3A_4 = vector.load %arg2[%get3A_2, %get3A_3] : memref<2048x256xf32, #tpu.memory_space<vmem>>, vector<2048x256xf32>
    %transpose3A = tpu.transpose %get3A_4, [1, 0] : vector<2048x256xf32> -> vector<256x2048xf32>
    %reshape3A = vector.shape_cast %transpose3A : vector<256x2048xf32> to vector<1x256x2048xf32>
    %swap3A = arith.constant 0 : index
    %swap3A_5 = arith.constant 0 : index
    %swap3A_6 = arith.constant 0 : index
    %swap3A_7 = vector.load %arg4[%swap3A, %swap3A_5, %swap3A_6] : memref<1x256x2048xf32, #tpu.memory_space<vmem>>, vector<1x256x2048xf32>
    tpu.vector_store %arg4[%swap3A, %swap3A_5, %swap3A_6], %reshape3A {strides = array<i32>} : memref<1x256x2048xf32, #tpu.memory_space<vmem>>, vector<1x256x2048xf32>,
    %mul3A = arith.mulf %get3A_1, %get3A_1 : vector<1024x256xf32>
    %reduce_sum3A = arith.constant dense<0.000000e+00> : vector<1024xf32>
    %reduce_sum3A_8 = vector.multi_reduction <add>, %mul3A, %reduce_sum3A [1] : vector<1024x256xf32> to vector<1024xf32>
    %broadcast_in_dim3A = vector.shape_cast %reduce_sum3A_8 : vector<1024xf32> to vector<1024x1xf32>
    %eq3A = arith.constant 0 : i32
    %eq3A_9 = arith.cmpi eq, %arg0, %eq3A : i32
    %convert_element_type3A = arith.extui %eq3A_9 : i1 to i32
    %cond3A = arith.constant 0 : i32
    %cond3A_10 = arith.cmpi ne, %convert_element_type3A, %cond3A : i32
    scf.if %cond3A_10 {
      %transpose3A_28 = tpu.transpose %get3A_1, [1, 0] : vector<1024x256xf32> -> vector<256x1024xf32>
      %swap3A_29 = arith.constant 0 : index
      %swap3A_30 = arith.constant 0 : index
      %swap3A_31 = vector.load %arg5[%swap3A_29, %swap3A_30] : memref<256x1024xf32, #tpu.memory_space<vmem>>, vector<256x1024xf32>
      tpu.vector_store %arg5[%swap3A_29, %swap3A_30], %transpose3A_28 {strides = array<i32>} : memref<256x1024xf32, #tpu.memory_space<vmem>>, vector<256x1024xf32>,
      %slice3A = vector.extract_strided_slice %get3A_4 {offsets = [0, 0], sizes = [1024, 256], strides = [1, 1]} : vector<2048x256xf32> to vector<1024x256xf32>
      %reduce_sum3A_32 = arith.constant dense<0.000000e+00> : vector<256xf32>
      %reduce_sum3A_33 = vector.multi_reduction <add>, %get3A_1, %reduce_sum3A_32 [0] : vector<1024x256xf32> to vector<256xf32>
      %broadcast_in_dim3A_34 = vector.shape_cast %reduce_sum3A_33 : vector<256xf32> to vector<1x256xf32>
      %mul3A_35 = arith.mulf %slice3A, %slice3A : vector<1024x256xf32>
      %reduce_sum3A_36 = arith.constant dense<0.000000e+00> : vector<1024xf32>
      %reduce_sum3A_37 = vector.multi_reduction <add>, %mul3A_35, %reduce_sum3A_36 [1] : vector<1024x256xf32> to vector<1024xf32>
      %broadcast_in_dim3A_38 = vector.shape_cast %reduce_sum3A_37 : vector<1024xf32> to vector<1024x1xf32>
      %dot_general3A_39 = arith.constant dense<0.000000e+00> : vector<1024x1xf32>
      %dot_general3A_40 = tpu.matmul %slice3A, %broadcast_in_dim3A_34, %dot_general3A_39 {dimension_numbers = #tpu.dot_dimension_numbers<[1], [1], [0], [0], [0, 0, 1, 0], [], []>, transpose_lhs_hint = false} : vector<1024x256xf32>, vector<1x256xf32>, vector<1024x1xf32> -> vector<1024x1xf32>
      %reduce_sum3A_41 = vector.shape_cast %broadcast_in_dim3A : vector<1024x1xf32> to vector<1x1024x1xf32>
      %reduce_sum3A_42 = arith.constant dense<0.000000e+00> : vector<1xf32>
      %reduce_sum3A_43 = vector.multi_reduction <add>, %reduce_sum3A_41, %reduce_sum3A_42 [1, 2] : vector<1x1024x1xf32> to vector<1xf32>
      %reduce_sum3A_44 = vector.shape_cast %reduce_sum3A_43 : vector<1xf32> to vector<1x1x1xf32>
      %reduce_sum3A_45 = vector.extract %reduce_sum3A_44[0, 0, 0] : f32 from vector<1x1x1xf32>
      %mul3A_46 = arith.constant 1.024000e+03 : f32
      %mul3A_47 = vector.broadcast %mul3A_46 : f32 to vector<1024x1xf32>
      %mul3A_48 = arith.mulf %mul3A_47, %broadcast_in_dim3A_38 : vector<1024x1xf32>
      %add3A = vector.broadcast %reduce_sum3A_45 : f32 to vector<1024x1xf32>
      %add3A_49 = arith.addf %add3A, %mul3A_48 : vector<1024x1xf32>
      %mul3A_50 = arith.constant 2.000000e+00 : f32
      %mul3A_51 = vector.broadcast %mul3A_50 : f32 to vector<1024x1xf32>
      %mul3A_52 = arith.mulf %mul3A_51, %dot_general3A_40 : vector<1024x1xf32>
      %sub3A_53 = arith.subf %add3A_49, %mul3A_52 : vector<1024x1xf32>
      %swap3A_54 = arith.constant 0 : index
      %swap3A_55 = arith.constant 0 : index
      %swap3A_56 = vector.load %arg6[%swap3A_54, %swap3A_55] : memref<1024x1xf32, #tpu.memory_space<vmem>>, vector<1024x1xf32>
      tpu.vector_store %arg6[%swap3A_54, %swap3A_55], %sub3A_53 {strides = array<i32>} : memref<1024x1xf32, #tpu.memory_space<vmem>>, vector<1024x1xf32>,
    } else {
    }
    %dot_general3A = arith.constant dense<0.000000e+00> : vector<1024x2048xf32>
    %dot_general3A_11 = tpu.matmul %get3A_1, %get3A_4, %dot_general3A {dimension_numbers = #tpu.dot_dimension_numbers<[1], [1], [0], [0], [0, 0, 1, 0], [], []>, transpose_lhs_hint = false} : vector<1024x256xf32>, vector<2048x256xf32>, vector<1024x2048xf32> -> vector<1024x2048xf32>
    %mul3A_12 = arith.constant 2.000000e+00 : f32
    %mul3A_13 = vector.broadcast %mul3A_12 : f32 to vector<1024x2048xf32>
    %mul3A_14 = arith.mulf %mul3A_13, %dot_general3A_11 : vector<1024x2048xf32>
    %sub3A = vector.broadcast %broadcast_in_dim3A : vector<1024x1xf32> to vector<1024x2048xf32>
    %sub3A_15 = arith.subf %sub3A, %mul3A_14 : vector<1024x2048xf32>
    %reduce_min3A = arith.constant dense<0x7F800000> : vector<2048xf32>
    %reduce_min3A_16 = vector.multi_reduction <minimumf>, %sub3A_15, %reduce_min3A [0] : vector<1024x2048xf32> to vector<2048xf32>
    %broadcast_in_dim3A_17 = vector.shape_cast %reduce_min3A_16 : vector<2048xf32> to vector<1x2048xf32>
    %iota3A = tpu.iota {dimensions = array<i32: 0>} : vector<1024x2048xi32>
    %eq3A_18 = vector.broadcast %broadcast_in_dim3A_17 : vector<1x2048xf32> to vector<1024x2048xf32>
    %eq3A_19 = arith.cmpf oeq, %sub3A_15, %eq3A_18 : vector<1024x2048xf32>
    %jit3A = arith.constant 1024 : i32
    %broadcast_in_dim3A_20 = vector.broadcast %jit3A : i32 to vector<1024x2048xi32>
    %select_n3A = arith.select %eq3A_19, %iota3A, %broadcast_in_dim3A_20 : vector<1024x2048xi1>, vector<1024x2048xi32>
    %reduce_min3A_21 = arith.constant dense<2147483647> : vector<2048xi32>
    %reduce_min3A_22 = vector.multi_reduction <minsi>, %select_n3A, %reduce_min3A_21 [0] : vector<1024x2048xi32> to vector<2048xi32>
    %reshape3A_23 = vector.shape_cast %reduce_min3A_22 : vector<2048xi32> to vector<1x1x2048xi32>
    %swap3A_24 = arith.constant 0 : index
    %swap3A_25 = arith.constant 0 : index
    %swap3A_26 = arith.constant 0 : index
    %swap3A_27 = vector.load %arg3[%swap3A_24, %swap3A_25, %swap3A_26] : memref<1x1x2048xi32, #tpu.memory_space<vmem>>, vector<1x1x2048xi32>
    tpu.vector_store %arg3[%swap3A_24, %swap3A_25, %swap3A_26], %reshape3A_23 {strides = array<i32>} : memref<1x1x2048xi32, #tpu.memory_space<vmem>>, vector<1x1x2048xi32>,
    return
  }
  func.func @transform_0(%arg0: i32) -> (i32, i32) {
    %c0_i32 = arith.constant 0 : i32
    %c0_i32_0 = arith.constant 0 : i32
    %c0_i32_1 = arith.constant 0 : i32
    return %c0_i32, %c0_i32_0 : i32, i32
  }
  func.func @transform_1(%arg0: i32) -> (i32, i32) {
    %c0_i32 = arith.constant 0 : i32
    %c0_i32_0 = arith.constant 0 : i32
    return %arg0, %c0_i32 : i32, i32
  }
  func.func @transform_2(%arg0: i32) -> (i32, i32, i32) {
    %c0_i32 = arith.constant 0 : i32
    %c0_i32_0 = arith.constant 0 : i32
    %c0_i32_1 = arith.constant 0 : i32
    return %arg0, %c0_i32, %c0_i32_0 : i32, i32, i32
  }
  func.func @transform_3(%arg0: i32) -> (i32, i32, i32) {
    %c0_i32 = arith.constant 0 : i32
    %c0_i32_0 = arith.constant 0 : i32
    %c0_i32_1 = arith.constant 0 : i32
    return %arg0, %c0_i32, %c0_i32_0 : i32, i32, i32
  }
  func.func @transform_4(%arg0: i32) -> (i32, i32) {
    %c0_i32 = arith.constant 0 : i32
    %c0_i32_0 = arith.constant 0 : i32
    %c0_i32_1 = arith.constant 0 : i32
    return %c0_i32, %c0_i32_0 : i32, i32
  }
  func.func @transform_5(%arg0: i32) -> (i32, i32) {
    %c0_i32 = arith.constant 0 : i32
    %c0_i32_0 = arith.constant 0 : i32
    %c0_i32_1 = arith.constant 0 : i32
    return %c0_i32, %c0_i32_0 : i32, i32
  }
}

module attributes {stable_mosaic.version = 14 : i64} {
  func.func @_finalize_body(%arg0: i32, %arg1: memref<256x1024xf32, #tpu.memory_space<vmem>>, %arg2: memref<2x16x16x1024xf32, #tpu.memory_space<vmem>>, %arg3: memref<2x16x1x1024xf32, #tpu.memory_space<vmem>>, %arg4: memref<1024x1xf32, #tpu.memory_space<vmem>>, %arg5: memref<1x1xf32, #tpu.memory_space<smem>>, %arg6: memref<1x1xf32, #tpu.memory_space<smem>>) attributes {dimension_semantics = [#tpu.dimension_semantics<arbitrary>], iteration_bounds = array<i64: 1>, scalar_prefetch = 0 : i64, scratch_operands = 0 : i64, tpu.core_type = #tpu.core_type<tc>, window_params = [{pipeline_mode = #tpu.pipeline_mode<synchronous>, transform_indices = @transform_0, window_bounds = array<i64: 256, 1024>}, {pipeline_mode = #tpu.pipeline_mode<synchronous>, transform_indices = @transform_1, window_bounds = array<i64: 2, 16, 16, 1024>}, {pipeline_mode = #tpu.pipeline_mode<synchronous>, transform_indices = @transform_2, window_bounds = array<i64: 2, 16, 1, 1024>}, {pipeline_mode = #tpu.pipeline_mode<synchronous>, transform_indices = @transform_3, window_bounds = array<i64: 1024, 1>}, {transform_indices = @transform_4, window_bounds = array<i64: 1, 1>}, {transform_indices = @transform_5, window_bounds = array<i64: 1, 1>}]} {
    %broadcast_in_dim3A = arith.constant 0.000000e+00 : f32
    %broadcast_in_dim3A_0 = vector.broadcast %broadcast_in_dim3A : f32 to vector<1x1024xf32>
    %get3A = arith.constant 0 : index
    %get3A_1 = arith.constant 0 : index
    %get3A_2 = arith.constant 0 : index
    %get3A_3 = arith.constant 0 : index
    %get3A_4 = vector.load %arg3[%get3A, %get3A_1, %get3A_2, %get3A_3] : memref<2x16x1x1024xf32, #tpu.memory_space<vmem>>, vector<1x1x1x1024xf32>
    %get3A_5 = vector.shape_cast %get3A_4 : vector<1x1x1x1024xf32> to vector<1x1024xf32>
    %add3A = arith.addf %broadcast_in_dim3A_0, %get3A_5 : vector<1x1024xf32>
    %get3A_6 = arith.constant 0 : index
    %get3A_7 = arith.constant 1 : index
    %get3A_8 = arith.constant 0 : index
    %get3A_9 = arith.constant 0 : index
    %get3A_10 = vector.load %arg3[%get3A_6, %get3A_7, %get3A_8, %get3A_9] : memref<2x16x1x1024xf32, #tpu.memory_space<vmem>>, vector<1x1x1x1024xf32>
    %get3A_11 = vector.shape_cast %get3A_10 : vector<1x1x1x1024xf32> to vector<1x1024xf32>
    %add3A_12 = arith.addf %add3A, %get3A_11 : vector<1x1024xf32>
    %get3A_13 = arith.constant 0 : index
    %get3A_14 = arith.constant 2 : index
    %get3A_15 = arith.constant 0 : index
    %get3A_16 = arith.constant 0 : index
    %get3A_17 = vector.load %arg3[%get3A_13, %get3A_14, %get3A_15, %get3A_16] : memref<2x16x1x1024xf32, #tpu.memory_space<vmem>>, vector<1x1x1x1024xf32>
    %get3A_18 = vector.shape_cast %get3A_17 : vector<1x1x1x1024xf32> to vector<1x1024xf32>
    %add3A_19 = arith.addf %add3A_12, %get3A_18 : vector<1x1024xf32>
    %get3A_20 = arith.constant 0 : index
    %get3A_21 = arith.constant 3 : index
    %get3A_22 = arith.constant 0 : index
    %get3A_23 = arith.constant 0 : index
    %get3A_24 = vector.load %arg3[%get3A_20, %get3A_21, %get3A_22, %get3A_23] : memref<2x16x1x1024xf32, #tpu.memory_space<vmem>>, vector<1x1x1x1024xf32>
    %get3A_25 = vector.shape_cast %get3A_24 : vector<1x1x1x1024xf32> to vector<1x1024xf32>
    %add3A_26 = arith.addf %add3A_19, %get3A_25 : vector<1x1024xf32>
    %get3A_27 = arith.constant 0 : index
    %get3A_28 = arith.constant 4 : index
    %get3A_29 = arith.constant 0 : index
    %get3A_30 = arith.constant 0 : index
    %get3A_31 = vector.load %arg3[%get3A_27, %get3A_28, %get3A_29, %get3A_30] : memref<2x16x1x1024xf32, #tpu.memory_space<vmem>>, vector<1x1x1x1024xf32>
    %get3A_32 = vector.shape_cast %get3A_31 : vector<1x1x1x1024xf32> to vector<1x1024xf32>
    %add3A_33 = arith.addf %add3A_26, %get3A_32 : vector<1x1024xf32>
    %get3A_34 = arith.constant 0 : index
    %get3A_35 = arith.constant 5 : index
    %get3A_36 = arith.constant 0 : index
    %get3A_37 = arith.constant 0 : index
    %get3A_38 = vector.load %arg3[%get3A_34, %get3A_35, %get3A_36, %get3A_37] : memref<2x16x1x1024xf32, #tpu.memory_space<vmem>>, vector<1x1x1x1024xf32>
    %get3A_39 = vector.shape_cast %get3A_38 : vector<1x1x1x1024xf32> to vector<1x1024xf32>
    %add3A_40 = arith.addf %add3A_33, %get3A_39 : vector<1x1024xf32>
    %get3A_41 = arith.constant 0 : index
    %get3A_42 = arith.constant 6 : index
    %get3A_43 = arith.constant 0 : index
    %get3A_44 = arith.constant 0 : index
    %get3A_45 = vector.load %arg3[%get3A_41, %get3A_42, %get3A_43, %get3A_44] : memref<2x16x1x1024xf32, #tpu.memory_space<vmem>>, vector<1x1x1x1024xf32>
    %get3A_46 = vector.shape_cast %get3A_45 : vector<1x1x1x1024xf32> to vector<1x1024xf32>
    %add3A_47 = arith.addf %add3A_40, %get3A_46 : vector<1x1024xf32>
    %get3A_48 = arith.constant 0 : index
    %get3A_49 = arith.constant 7 : index
    %get3A_50 = arith.constant 0 : index
    %get3A_51 = arith.constant 0 : index
    %get3A_52 = vector.load %arg3[%get3A_48, %get3A_49, %get3A_50, %get3A_51] : memref<2x16x1x1024xf32, #tpu.memory_space<vmem>>, vector<1x1x1x1024xf32>
    %get3A_53 = vector.shape_cast %get3A_52 : vector<1x1x1x1024xf32> to vector<1x1024xf32>
    %add3A_54 = arith.addf %add3A_47, %get3A_53 : vector<1x1024xf32>
    %get3A_55 = arith.constant 0 : index
    %get3A_56 = arith.constant 8 : index
    %get3A_57 = arith.constant 0 : index
    %get3A_58 = arith.constant 0 : index
    %get3A_59 = vector.load %arg3[%get3A_55, %get3A_56, %get3A_57, %get3A_58] : memref<2x16x1x1024xf32, #tpu.memory_space<vmem>>, vector<1x1x1x1024xf32>
    %get3A_60 = vector.shape_cast %get3A_59 : vector<1x1x1x1024xf32> to vector<1x1024xf32>
    %add3A_61 = arith.addf %add3A_54, %get3A_60 : vector<1x1024xf32>
    %get3A_62 = arith.constant 0 : index
    %get3A_63 = arith.constant 9 : index
    %get3A_64 = arith.constant 0 : index
    %get3A_65 = arith.constant 0 : index
    %get3A_66 = vector.load %arg3[%get3A_62, %get3A_63, %get3A_64, %get3A_65] : memref<2x16x1x1024xf32, #tpu.memory_space<vmem>>, vector<1x1x1x1024xf32>
    %get3A_67 = vector.shape_cast %get3A_66 : vector<1x1x1x1024xf32> to vector<1x1024xf32>
    %add3A_68 = arith.addf %add3A_61, %get3A_67 : vector<1x1024xf32>
    %get3A_69 = arith.constant 0 : index
    %get3A_70 = arith.constant 10 : index
    %get3A_71 = arith.constant 0 : index
    %get3A_72 = arith.constant 0 : index
    %get3A_73 = vector.load %arg3[%get3A_69, %get3A_70, %get3A_71, %get3A_72] : memref<2x16x1x1024xf32, #tpu.memory_space<vmem>>, vector<1x1x1x1024xf32>
    %get3A_74 = vector.shape_cast %get3A_73 : vector<1x1x1x1024xf32> to vector<1x1024xf32>
    %add3A_75 = arith.addf %add3A_68, %get3A_74 : vector<1x1024xf32>
    %get3A_76 = arith.constant 0 : index
    %get3A_77 = arith.constant 11 : index
    %get3A_78 = arith.constant 0 : index
    %get3A_79 = arith.constant 0 : index
    %get3A_80 = vector.load %arg3[%get3A_76, %get3A_77, %get3A_78, %get3A_79] : memref<2x16x1x1024xf32, #tpu.memory_space<vmem>>, vector<1x1x1x1024xf32>
    %get3A_81 = vector.shape_cast %get3A_80 : vector<1x1x1x1024xf32> to vector<1x1024xf32>
    %add3A_82 = arith.addf %add3A_75, %get3A_81 : vector<1x1024xf32>
    %get3A_83 = arith.constant 0 : index
    %get3A_84 = arith.constant 12 : index
    %get3A_85 = arith.constant 0 : index
    %get3A_86 = arith.constant 0 : index
    %get3A_87 = vector.load %arg3[%get3A_83, %get3A_84, %get3A_85, %get3A_86] : memref<2x16x1x1024xf32, #tpu.memory_space<vmem>>, vector<1x1x1x1024xf32>
    %get3A_88 = vector.shape_cast %get3A_87 : vector<1x1x1x1024xf32> to vector<1x1024xf32>
    %add3A_89 = arith.addf %add3A_82, %get3A_88 : vector<1x1024xf32>
    %get3A_90 = arith.constant 0 : index
    %get3A_91 = arith.constant 13 : index
    %get3A_92 = arith.constant 0 : index
    %get3A_93 = arith.constant 0 : index
    %get3A_94 = vector.load %arg3[%get3A_90, %get3A_91, %get3A_92, %get3A_93] : memref<2x16x1x1024xf32, #tpu.memory_space<vmem>>, vector<1x1x1x1024xf32>
    %get3A_95 = vector.shape_cast %get3A_94 : vector<1x1x1x1024xf32> to vector<1x1024xf32>
    %add3A_96 = arith.addf %add3A_89, %get3A_95 : vector<1x1024xf32>
    %get3A_97 = arith.constant 0 : index
    %get3A_98 = arith.constant 14 : index
    %get3A_99 = arith.constant 0 : index
    %get3A_100 = arith.constant 0 : index
    %get3A_101 = vector.load %arg3[%get3A_97, %get3A_98, %get3A_99, %get3A_100] : memref<2x16x1x1024xf32, #tpu.memory_space<vmem>>, vector<1x1x1x1024xf32>
    %get3A_102 = vector.shape_cast %get3A_101 : vector<1x1x1x1024xf32> to vector<1x1024xf32>
    %add3A_103 = arith.addf %add3A_96, %get3A_102 : vector<1x1024xf32>
    %get3A_104 = arith.constant 0 : index
    %get3A_105 = arith.constant 15 : index
    %get3A_106 = arith.constant 0 : index
    %get3A_107 = arith.constant 0 : index
    %get3A_108 = vector.load %arg3[%get3A_104, %get3A_105, %get3A_106, %get3A_107] : memref<2x16x1x1024xf32, #tpu.memory_space<vmem>>, vector<1x1x1x1024xf32>
    %get3A_109 = vector.shape_cast %get3A_108 : vector<1x1x1x1024xf32> to vector<1x1024xf32>
    %add3A_110 = arith.addf %add3A_103, %get3A_109 : vector<1x1024xf32>
    %get3A_111 = arith.constant 1 : index
    %get3A_112 = arith.constant 0 : index
    %get3A_113 = arith.constant 0 : index
    %get3A_114 = arith.constant 0 : index
    %get3A_115 = vector.load %arg3[%get3A_111, %get3A_112, %get3A_113, %get3A_114] : memref<2x16x1x1024xf32, #tpu.memory_space<vmem>>, vector<1x1x1x1024xf32>
    %get3A_116 = vector.shape_cast %get3A_115 : vector<1x1x1x1024xf32> to vector<1x1024xf32>
    %add3A_117 = arith.addf %add3A_110, %get3A_116 : vector<1x1024xf32>
    %get3A_118 = arith.constant 1 : index
    %get3A_119 = arith.constant 1 : index
    %get3A_120 = arith.constant 0 : index
    %get3A_121 = arith.constant 0 : index
    %get3A_122 = vector.load %arg3[%get3A_118, %get3A_119, %get3A_120, %get3A_121] : memref<2x16x1x1024xf32, #tpu.memory_space<vmem>>, vector<1x1x1x1024xf32>
    %get3A_123 = vector.shape_cast %get3A_122 : vector<1x1x1x1024xf32> to vector<1x1024xf32>
    %add3A_124 = arith.addf %add3A_117, %get3A_123 : vector<1x1024xf32>
    %get3A_125 = arith.constant 1 : index
    %get3A_126 = arith.constant 2 : index
    %get3A_127 = arith.constant 0 : index
    %get3A_128 = arith.constant 0 : index
    %get3A_129 = vector.load %arg3[%get3A_125, %get3A_126, %get3A_127, %get3A_128] : memref<2x16x1x1024xf32, #tpu.memory_space<vmem>>, vector<1x1x1x1024xf32>
    %get3A_130 = vector.shape_cast %get3A_129 : vector<1x1x1x1024xf32> to vector<1x1024xf32>
    %add3A_131 = arith.addf %add3A_124, %get3A_130 : vector<1x1024xf32>
    %get3A_132 = arith.constant 1 : index
    %get3A_133 = arith.constant 3 : index
    %get3A_134 = arith.constant 0 : index
    %get3A_135 = arith.constant 0 : index
    %get3A_136 = vector.load %arg3[%get3A_132, %get3A_133, %get3A_134, %get3A_135] : memref<2x16x1x1024xf32, #tpu.memory_space<vmem>>, vector<1x1x1x1024xf32>
    %get3A_137 = vector.shape_cast %get3A_136 : vector<1x1x1x1024xf32> to vector<1x1024xf32>
    %add3A_138 = arith.addf %add3A_131, %get3A_137 : vector<1x1024xf32>
    %get3A_139 = arith.constant 1 : index
    %get3A_140 = arith.constant 4 : index
    %get3A_141 = arith.constant 0 : index
    %get3A_142 = arith.constant 0 : index
    %get3A_143 = vector.load %arg3[%get3A_139, %get3A_140, %get3A_141, %get3A_142] : memref<2x16x1x1024xf32, #tpu.memory_space<vmem>>, vector<1x1x1x1024xf32>
    %get3A_144 = vector.shape_cast %get3A_143 : vector<1x1x1x1024xf32> to vector<1x1024xf32>
    %add3A_145 = arith.addf %add3A_138, %get3A_144 : vector<1x1024xf32>
    %get3A_146 = arith.constant 1 : index
    %get3A_147 = arith.constant 5 : index
    %get3A_148 = arith.constant 0 : index
    %get3A_149 = arith.constant 0 : index
    %get3A_150 = vector.load %arg3[%get3A_146, %get3A_147, %get3A_148, %get3A_149] : memref<2x16x1x1024xf32, #tpu.memory_space<vmem>>, vector<1x1x1x1024xf32>
    %get3A_151 = vector.shape_cast %get3A_150 : vector<1x1x1x1024xf32> to vector<1x1024xf32>
    %add3A_152 = arith.addf %add3A_145, %get3A_151 : vector<1x1024xf32>
    %get3A_153 = arith.constant 1 : index
    %get3A_154 = arith.constant 6 : index
    %get3A_155 = arith.constant 0 : index
    %get3A_156 = arith.constant 0 : index
    %get3A_157 = vector.load %arg3[%get3A_153, %get3A_154, %get3A_155, %get3A_156] : memref<2x16x1x1024xf32, #tpu.memory_space<vmem>>, vector<1x1x1x1024xf32>
    %get3A_158 = vector.shape_cast %get3A_157 : vector<1x1x1x1024xf32> to vector<1x1024xf32>
    %add3A_159 = arith.addf %add3A_152, %get3A_158 : vector<1x1024xf32>
    %get3A_160 = arith.constant 1 : index
    %get3A_161 = arith.constant 7 : index
    %get3A_162 = arith.constant 0 : index
    %get3A_163 = arith.constant 0 : index
    %get3A_164 = vector.load %arg3[%get3A_160, %get3A_161, %get3A_162, %get3A_163] : memref<2x16x1x1024xf32, #tpu.memory_space<vmem>>, vector<1x1x1x1024xf32>
    %get3A_165 = vector.shape_cast %get3A_164 : vector<1x1x1x1024xf32> to vector<1x1024xf32>
    %add3A_166 = arith.addf %add3A_159, %get3A_165 : vector<1x1024xf32>
    %get3A_167 = arith.constant 1 : index
    %get3A_168 = arith.constant 8 : index
    %get3A_169 = arith.constant 0 : index
    %get3A_170 = arith.constant 0 : index
    %get3A_171 = vector.load %arg3[%get3A_167, %get3A_168, %get3A_169, %get3A_170] : memref<2x16x1x1024xf32, #tpu.memory_space<vmem>>, vector<1x1x1x1024xf32>
    %get3A_172 = vector.shape_cast %get3A_171 : vector<1x1x1x1024xf32> to vector<1x1024xf32>
    %add3A_173 = arith.addf %add3A_166, %get3A_172 : vector<1x1024xf32>
    %get3A_174 = arith.constant 1 : index
    %get3A_175 = arith.constant 9 : index
    %get3A_176 = arith.constant 0 : index
    %get3A_177 = arith.constant 0 : index
    %get3A_178 = vector.load %arg3[%get3A_174, %get3A_175, %get3A_176, %get3A_177] : memref<2x16x1x1024xf32, #tpu.memory_space<vmem>>, vector<1x1x1x1024xf32>
    %get3A_179 = vector.shape_cast %get3A_178 : vector<1x1x1x1024xf32> to vector<1x1024xf32>
    %add3A_180 = arith.addf %add3A_173, %get3A_179 : vector<1x1024xf32>
    %get3A_181 = arith.constant 1 : index
    %get3A_182 = arith.constant 10 : index
    %get3A_183 = arith.constant 0 : index
    %get3A_184 = arith.constant 0 : index
    %get3A_185 = vector.load %arg3[%get3A_181, %get3A_182, %get3A_183, %get3A_184] : memref<2x16x1x1024xf32, #tpu.memory_space<vmem>>, vector<1x1x1x1024xf32>
    %get3A_186 = vector.shape_cast %get3A_185 : vector<1x1x1x1024xf32> to vector<1x1024xf32>
    %add3A_187 = arith.addf %add3A_180, %get3A_186 : vector<1x1024xf32>
    %get3A_188 = arith.constant 1 : index
    %get3A_189 = arith.constant 11 : index
    %get3A_190 = arith.constant 0 : index
    %get3A_191 = arith.constant 0 : index
    %get3A_192 = vector.load %arg3[%get3A_188, %get3A_189, %get3A_190, %get3A_191] : memref<2x16x1x1024xf32, #tpu.memory_space<vmem>>, vector<1x1x1x1024xf32>
    %get3A_193 = vector.shape_cast %get3A_192 : vector<1x1x1x1024xf32> to vector<1x1024xf32>
    %add3A_194 = arith.addf %add3A_187, %get3A_193 : vector<1x1024xf32>
    %get3A_195 = arith.constant 1 : index
    %get3A_196 = arith.constant 12 : index
    %get3A_197 = arith.constant 0 : index
    %get3A_198 = arith.constant 0 : index
    %get3A_199 = vector.load %arg3[%get3A_195, %get3A_196, %get3A_197, %get3A_198] : memref<2x16x1x1024xf32, #tpu.memory_space<vmem>>, vector<1x1x1x1024xf32>
    %get3A_200 = vector.shape_cast %get3A_199 : vector<1x1x1x1024xf32> to vector<1x1024xf32>
    %add3A_201 = arith.addf %add3A_194, %get3A_200 : vector<1x1024xf32>
    %get3A_202 = arith.constant 1 : index
    %get3A_203 = arith.constant 13 : index
    %get3A_204 = arith.constant 0 : index
    %get3A_205 = arith.constant 0 : index
    %get3A_206 = vector.load %arg3[%get3A_202, %get3A_203, %get3A_204, %get3A_205] : memref<2x16x1x1024xf32, #tpu.memory_space<vmem>>, vector<1x1x1x1024xf32>
    %get3A_207 = vector.shape_cast %get3A_206 : vector<1x1x1x1024xf32> to vector<1x1024xf32>
    %add3A_208 = arith.addf %add3A_201, %get3A_207 : vector<1x1024xf32>
    %get3A_209 = arith.constant 1 : index
    %get3A_210 = arith.constant 14 : index
    %get3A_211 = arith.constant 0 : index
    %get3A_212 = arith.constant 0 : index
    %get3A_213 = vector.load %arg3[%get3A_209, %get3A_210, %get3A_211, %get3A_212] : memref<2x16x1x1024xf32, #tpu.memory_space<vmem>>, vector<1x1x1x1024xf32>
    %get3A_214 = vector.shape_cast %get3A_213 : vector<1x1x1x1024xf32> to vector<1x1024xf32>
    %add3A_215 = arith.addf %add3A_208, %get3A_214 : vector<1x1024xf32>
    %get3A_216 = arith.constant 1 : index
    %get3A_217 = arith.constant 15 : index
    %get3A_218 = arith.constant 0 : index
    %get3A_219 = arith.constant 0 : index
    %get3A_220 = vector.load %arg3[%get3A_216, %get3A_217, %get3A_218, %get3A_219] : memref<2x16x1x1024xf32, #tpu.memory_space<vmem>>, vector<1x1x1x1024xf32>
    %get3A_221 = vector.shape_cast %get3A_220 : vector<1x1x1x1024xf32> to vector<1x1024xf32>
    %add3A_222 = arith.addf %add3A_215, %get3A_221 : vector<1x1024xf32>
    %gt3A = arith.constant 0.000000e+00 : f32
    %gt3A_223 = vector.broadcast %gt3A : f32 to vector<1x1024xf32>
    %gt3A_224 = arith.cmpf ogt, %add3A_222, %gt3A_223 : vector<1x1024xf32>
    %max3A = arith.constant 1.000000e+00 : f32
    %max3A_225 = vector.broadcast %max3A : f32 to vector<1x1024xf32>
    %max3A_226 = arith.maximumf %add3A_222, %max3A_225 : vector<1x1024xf32>
    %broadcast_in_dim3A_227 = arith.constant 0.000000e+00 : f32
    %broadcast_in_dim3A_228 = vector.broadcast %broadcast_in_dim3A_227 : f32 to vector<1x1024xf32>
    %get3A_229 = arith.constant 0 : index
    %get3A_230 = arith.constant 0 : index
    %get3A_231 = arith.constant 0 : index
    %get3A_232 = arith.constant 0 : index
    %get3A_233 = vector.load %arg2[%get3A_229, %get3A_230, %get3A_231, %get3A_232] : memref<2x16x16x1024xf32, #tpu.memory_space<vmem>>, vector<1x1x16x1024xf32>
    %get3A_234 = vector.shape_cast %get3A_233 : vector<1x1x16x1024xf32> to vector<16x1024xf32>
    %get3A_235 = arith.constant 1 : index
    %get3A_236 = arith.constant 0 : index
    %get3A_237 = arith.constant 0 : index
    %get3A_238 = arith.constant 0 : index
    %get3A_239 = vector.load %arg2[%get3A_235, %get3A_236, %get3A_237, %get3A_238] : memref<2x16x16x1024xf32, #tpu.memory_space<vmem>>, vector<1x1x16x1024xf32>
    %get3A_240 = vector.shape_cast %get3A_239 : vector<1x1x16x1024xf32> to vector<16x1024xf32>
    %add3A_241 = arith.addf %get3A_234, %get3A_240 : vector<16x1024xf32>
    %get3A_242 = arith.constant 0 : index
    %get3A_243 = arith.constant 0 : index
    %get3A_244 = vector.load %arg1[%get3A_242, %get3A_243] : memref<256x1024xf32, #tpu.memory_space<vmem>>, vector<16x1024xf32>
    %div3A = vector.broadcast %max3A_226 : vector<1x1024xf32> to vector<16x1024xf32>
    %div3A_245 = arith.divf %add3A_241, %div3A : vector<16x1024xf32>
    %broadcast_in_dim3A_246 = vector.shape_cast %gt3A_224 : vector<1x1024xi1> to vector<1x1024xi1>
    %broadcast_in_dim3A_247 = vector.broadcast %broadcast_in_dim3A_246 : vector<1x1024xi1> to vector<16x1024xi1>
    %select_n3A = arith.select %broadcast_in_dim3A_247, %div3A_245, %get3A_244 : vector<16x1024xi1>, vector<16x1024xf32>
    %sub3A = arith.subf %get3A_244, %select_n3A : vector<16x1024xf32>
    %square3A = arith.mulf %sub3A, %sub3A : vector<16x1024xf32>
    %reduce_sum3A = arith.constant dense<0.000000e+00> : vector<1024xf32>
    %reduce_sum3A_248 = vector.multi_reduction <add>, %square3A, %reduce_sum3A [0] : vector<16x1024xf32> to vector<1024xf32>
    %broadcast_in_dim3A_249 = vector.shape_cast %reduce_sum3A_248 : vector<1024xf32> to vector<1x1024xf32>
    %add3A_250 = arith.addf %broadcast_in_dim3A_228, %broadcast_in_dim3A_249 : vector<1x1024xf32>
    %get3A_251 = arith.constant 0 : index
    %get3A_252 = arith.constant 1 : index
    %get3A_253 = arith.constant 0 : index
    %get3A_254 = arith.constant 0 : index
    %get3A_255 = vector.load %arg2[%get3A_251, %get3A_252, %get3A_253, %get3A_254] : memref<2x16x16x1024xf32, #tpu.memory_space<vmem>>, vector<1x1x16x1024xf32>
    %get3A_256 = vector.shape_cast %get3A_255 : vector<1x1x16x1024xf32> to vector<16x1024xf32>
    %get3A_257 = arith.constant 1 : index
    %get3A_258 = arith.constant 1 : index
    %get3A_259 = arith.constant 0 : index
    %get3A_260 = arith.constant 0 : index
    %get3A_261 = vector.load %arg2[%get3A_257, %get3A_258, %get3A_259, %get3A_260] : memref<2x16x16x1024xf32, #tpu.memory_space<vmem>>, vector<1x1x16x1024xf32>
    %get3A_262 = vector.shape_cast %get3A_261 : vector<1x1x16x1024xf32> to vector<16x1024xf32>
    %add3A_263 = arith.addf %get3A_256, %get3A_262 : vector<16x1024xf32>
    %get3A_264 = arith.constant 16 : index
    %get3A_265 = arith.constant 0 : index
    %get3A_266 = vector.load %arg1[%get3A_264, %get3A_265] : memref<256x1024xf32, #tpu.memory_space<vmem>>, vector<16x1024xf32>
    %div3A_267 = vector.broadcast %max3A_226 : vector<1x1024xf32> to vector<16x1024xf32>
    %div3A_268 = arith.divf %add3A_263, %div3A_267 : vector<16x1024xf32>
    %broadcast_in_dim3A_269 = vector.shape_cast %gt3A_224 : vector<1x1024xi1> to vector<1x1024xi1>
    %broadcast_in_dim3A_270 = vector.broadcast %broadcast_in_dim3A_269 : vector<1x1024xi1> to vector<16x1024xi1>
    %select_n3A_271 = arith.select %broadcast_in_dim3A_270, %div3A_268, %get3A_266 : vector<16x1024xi1>, vector<16x1024xf32>
    %sub3A_272 = arith.subf %get3A_266, %select_n3A_271 : vector<16x1024xf32>
    %square3A_273 = arith.mulf %sub3A_272, %sub3A_272 : vector<16x1024xf32>
    %reduce_sum3A_274 = arith.constant dense<0.000000e+00> : vector<1024xf32>
    %reduce_sum3A_275 = vector.multi_reduction <add>, %square3A_273, %reduce_sum3A_274 [0] : vector<16x1024xf32> to vector<1024xf32>
    %broadcast_in_dim3A_276 = vector.shape_cast %reduce_sum3A_275 : vector<1024xf32> to vector<1x1024xf32>
    %add3A_277 = arith.addf %add3A_250, %broadcast_in_dim3A_276 : vector<1x1024xf32>
    %get3A_278 = arith.constant 0 : index
    %get3A_279 = arith.constant 2 : index
    %get3A_280 = arith.constant 0 : index
    %get3A_281 = arith.constant 0 : index
    %get3A_282 = vector.load %arg2[%get3A_278, %get3A_279, %get3A_280, %get3A_281] : memref<2x16x16x1024xf32, #tpu.memory_space<vmem>>, vector<1x1x16x1024xf32>
    %get3A_283 = vector.shape_cast %get3A_282 : vector<1x1x16x1024xf32> to vector<16x1024xf32>
    %get3A_284 = arith.constant 1 : index
    %get3A_285 = arith.constant 2 : index
    %get3A_286 = arith.constant 0 : index
    %get3A_287 = arith.constant 0 : index
    %get3A_288 = vector.load %arg2[%get3A_284, %get3A_285, %get3A_286, %get3A_287] : memref<2x16x16x1024xf32, #tpu.memory_space<vmem>>, vector<1x1x16x1024xf32>
    %get3A_289 = vector.shape_cast %get3A_288 : vector<1x1x16x1024xf32> to vector<16x1024xf32>
    %add3A_290 = arith.addf %get3A_283, %get3A_289 : vector<16x1024xf32>
    %get3A_291 = arith.constant 32 : index
    %get3A_292 = arith.constant 0 : index
    %get3A_293 = vector.load %arg1[%get3A_291, %get3A_292] : memref<256x1024xf32, #tpu.memory_space<vmem>>, vector<16x1024xf32>
    %div3A_294 = vector.broadcast %max3A_226 : vector<1x1024xf32> to vector<16x1024xf32>
    %div3A_295 = arith.divf %add3A_290, %div3A_294 : vector<16x1024xf32>
    %broadcast_in_dim3A_296 = vector.shape_cast %gt3A_224 : vector<1x1024xi1> to vector<1x1024xi1>
    %broadcast_in_dim3A_297 = vector.broadcast %broadcast_in_dim3A_296 : vector<1x1024xi1> to vector<16x1024xi1>
    %select_n3A_298 = arith.select %broadcast_in_dim3A_297, %div3A_295, %get3A_293 : vector<16x1024xi1>, vector<16x1024xf32>
    %sub3A_299 = arith.subf %get3A_293, %select_n3A_298 : vector<16x1024xf32>
    %square3A_300 = arith.mulf %sub3A_299, %sub3A_299 : vector<16x1024xf32>
    %reduce_sum3A_301 = arith.constant dense<0.000000e+00> : vector<1024xf32>
    %reduce_sum3A_302 = vector.multi_reduction <add>, %square3A_300, %reduce_sum3A_301 [0] : vector<16x1024xf32> to vector<1024xf32>
    %broadcast_in_dim3A_303 = vector.shape_cast %reduce_sum3A_302 : vector<1024xf32> to vector<1x1024xf32>
    %add3A_304 = arith.addf %add3A_277, %broadcast_in_dim3A_303 : vector<1x1024xf32>
    %get3A_305 = arith.constant 0 : index
    %get3A_306 = arith.constant 3 : index
    %get3A_307 = arith.constant 0 : index
    %get3A_308 = arith.constant 0 : index
    %get3A_309 = vector.load %arg2[%get3A_305, %get3A_306, %get3A_307, %get3A_308] : memref<2x16x16x1024xf32, #tpu.memory_space<vmem>>, vector<1x1x16x1024xf32>
    %get3A_310 = vector.shape_cast %get3A_309 : vector<1x1x16x1024xf32> to vector<16x1024xf32>
    %get3A_311 = arith.constant 1 : index
    %get3A_312 = arith.constant 3 : index
    %get3A_313 = arith.constant 0 : index
    %get3A_314 = arith.constant 0 : index
    %get3A_315 = vector.load %arg2[%get3A_311, %get3A_312, %get3A_313, %get3A_314] : memref<2x16x16x1024xf32, #tpu.memory_space<vmem>>, vector<1x1x16x1024xf32>
    %get3A_316 = vector.shape_cast %get3A_315 : vector<1x1x16x1024xf32> to vector<16x1024xf32>
    %add3A_317 = arith.addf %get3A_310, %get3A_316 : vector<16x1024xf32>
    %get3A_318 = arith.constant 48 : index
    %get3A_319 = arith.constant 0 : index
    %get3A_320 = vector.load %arg1[%get3A_318, %get3A_319] : memref<256x1024xf32, #tpu.memory_space<vmem>>, vector<16x1024xf32>
    %div3A_321 = vector.broadcast %max3A_226 : vector<1x1024xf32> to vector<16x1024xf32>
    %div3A_322 = arith.divf %add3A_317, %div3A_321 : vector<16x1024xf32>
    %broadcast_in_dim3A_323 = vector.shape_cast %gt3A_224 : vector<1x1024xi1> to vector<1x1024xi1>
    %broadcast_in_dim3A_324 = vector.broadcast %broadcast_in_dim3A_323 : vector<1x1024xi1> to vector<16x1024xi1>
    %select_n3A_325 = arith.select %broadcast_in_dim3A_324, %div3A_322, %get3A_320 : vector<16x1024xi1>, vector<16x1024xf32>
    %sub3A_326 = arith.subf %get3A_320, %select_n3A_325 : vector<16x1024xf32>
    %square3A_327 = arith.mulf %sub3A_326, %sub3A_326 : vector<16x1024xf32>
    %reduce_sum3A_328 = arith.constant dense<0.000000e+00> : vector<1024xf32>
    %reduce_sum3A_329 = vector.multi_reduction <add>, %square3A_327, %reduce_sum3A_328 [0] : vector<16x1024xf32> to vector<1024xf32>
    %broadcast_in_dim3A_330 = vector.shape_cast %reduce_sum3A_329 : vector<1024xf32> to vector<1x1024xf32>
    %add3A_331 = arith.addf %add3A_304, %broadcast_in_dim3A_330 : vector<1x1024xf32>
    %get3A_332 = arith.constant 0 : index
    %get3A_333 = arith.constant 4 : index
    %get3A_334 = arith.constant 0 : index
    %get3A_335 = arith.constant 0 : index
    %get3A_336 = vector.load %arg2[%get3A_332, %get3A_333, %get3A_334, %get3A_335] : memref<2x16x16x1024xf32, #tpu.memory_space<vmem>>, vector<1x1x16x1024xf32>
    %get3A_337 = vector.shape_cast %get3A_336 : vector<1x1x16x1024xf32> to vector<16x1024xf32>
    %get3A_338 = arith.constant 1 : index
    %get3A_339 = arith.constant 4 : index
    %get3A_340 = arith.constant 0 : index
    %get3A_341 = arith.constant 0 : index
    %get3A_342 = vector.load %arg2[%get3A_338, %get3A_339, %get3A_340, %get3A_341] : memref<2x16x16x1024xf32, #tpu.memory_space<vmem>>, vector<1x1x16x1024xf32>
    %get3A_343 = vector.shape_cast %get3A_342 : vector<1x1x16x1024xf32> to vector<16x1024xf32>
    %add3A_344 = arith.addf %get3A_337, %get3A_343 : vector<16x1024xf32>
    %get3A_345 = arith.constant 64 : index
    %get3A_346 = arith.constant 0 : index
    %get3A_347 = vector.load %arg1[%get3A_345, %get3A_346] : memref<256x1024xf32, #tpu.memory_space<vmem>>, vector<16x1024xf32>
    %div3A_348 = vector.broadcast %max3A_226 : vector<1x1024xf32> to vector<16x1024xf32>
    %div3A_349 = arith.divf %add3A_344, %div3A_348 : vector<16x1024xf32>
    %broadcast_in_dim3A_350 = vector.shape_cast %gt3A_224 : vector<1x1024xi1> to vector<1x1024xi1>
    %broadcast_in_dim3A_351 = vector.broadcast %broadcast_in_dim3A_350 : vector<1x1024xi1> to vector<16x1024xi1>
    %select_n3A_352 = arith.select %broadcast_in_dim3A_351, %div3A_349, %get3A_347 : vector<16x1024xi1>, vector<16x1024xf32>
    %sub3A_353 = arith.subf %get3A_347, %select_n3A_352 : vector<16x1024xf32>
    %square3A_354 = arith.mulf %sub3A_353, %sub3A_353 : vector<16x1024xf32>
    %reduce_sum3A_355 = arith.constant dense<0.000000e+00> : vector<1024xf32>
    %reduce_sum3A_356 = vector.multi_reduction <add>, %square3A_354, %reduce_sum3A_355 [0] : vector<16x1024xf32> to vector<1024xf32>
    %broadcast_in_dim3A_357 = vector.shape_cast %reduce_sum3A_356 : vector<1024xf32> to vector<1x1024xf32>
    %add3A_358 = arith.addf %add3A_331, %broadcast_in_dim3A_357 : vector<1x1024xf32>
    %get3A_359 = arith.constant 0 : index
    %get3A_360 = arith.constant 5 : index
    %get3A_361 = arith.constant 0 : index
    %get3A_362 = arith.constant 0 : index
    %get3A_363 = vector.load %arg2[%get3A_359, %get3A_360, %get3A_361, %get3A_362] : memref<2x16x16x1024xf32, #tpu.memory_space<vmem>>, vector<1x1x16x1024xf32>
    %get3A_364 = vector.shape_cast %get3A_363 : vector<1x1x16x1024xf32> to vector<16x1024xf32>
    %get3A_365 = arith.constant 1 : index
    %get3A_366 = arith.constant 5 : index
    %get3A_367 = arith.constant 0 : index
    %get3A_368 = arith.constant 0 : index
    %get3A_369 = vector.load %arg2[%get3A_365, %get3A_366, %get3A_367, %get3A_368] : memref<2x16x16x1024xf32, #tpu.memory_space<vmem>>, vector<1x1x16x1024xf32>
    %get3A_370 = vector.shape_cast %get3A_369 : vector<1x1x16x1024xf32> to vector<16x1024xf32>
    %add3A_371 = arith.addf %get3A_364, %get3A_370 : vector<16x1024xf32>
    %get3A_372 = arith.constant 80 : index
    %get3A_373 = arith.constant 0 : index
    %get3A_374 = vector.load %arg1[%get3A_372, %get3A_373] : memref<256x1024xf32, #tpu.memory_space<vmem>>, vector<16x1024xf32>
    %div3A_375 = vector.broadcast %max3A_226 : vector<1x1024xf32> to vector<16x1024xf32>
    %div3A_376 = arith.divf %add3A_371, %div3A_375 : vector<16x1024xf32>
    %broadcast_in_dim3A_377 = vector.shape_cast %gt3A_224 : vector<1x1024xi1> to vector<1x1024xi1>
    %broadcast_in_dim3A_378 = vector.broadcast %broadcast_in_dim3A_377 : vector<1x1024xi1> to vector<16x1024xi1>
    %select_n3A_379 = arith.select %broadcast_in_dim3A_378, %div3A_376, %get3A_374 : vector<16x1024xi1>, vector<16x1024xf32>
    %sub3A_380 = arith.subf %get3A_374, %select_n3A_379 : vector<16x1024xf32>
    %square3A_381 = arith.mulf %sub3A_380, %sub3A_380 : vector<16x1024xf32>
    %reduce_sum3A_382 = arith.constant dense<0.000000e+00> : vector<1024xf32>
    %reduce_sum3A_383 = vector.multi_reduction <add>, %square3A_381, %reduce_sum3A_382 [0] : vector<16x1024xf32> to vector<1024xf32>
    %broadcast_in_dim3A_384 = vector.shape_cast %reduce_sum3A_383 : vector<1024xf32> to vector<1x1024xf32>
    %add3A_385 = arith.addf %add3A_358, %broadcast_in_dim3A_384 : vector<1x1024xf32>
    %get3A_386 = arith.constant 0 : index
    %get3A_387 = arith.constant 6 : index
    %get3A_388 = arith.constant 0 : index
    %get3A_389 = arith.constant 0 : index
    %get3A_390 = vector.load %arg2[%get3A_386, %get3A_387, %get3A_388, %get3A_389] : memref<2x16x16x1024xf32, #tpu.memory_space<vmem>>, vector<1x1x16x1024xf32>
    %get3A_391 = vector.shape_cast %get3A_390 : vector<1x1x16x1024xf32> to vector<16x1024xf32>
    %get3A_392 = arith.constant 1 : index
    %get3A_393 = arith.constant 6 : index
    %get3A_394 = arith.constant 0 : index
    %get3A_395 = arith.constant 0 : index
    %get3A_396 = vector.load %arg2[%get3A_392, %get3A_393, %get3A_394, %get3A_395] : memref<2x16x16x1024xf32, #tpu.memory_space<vmem>>, vector<1x1x16x1024xf32>
    %get3A_397 = vector.shape_cast %get3A_396 : vector<1x1x16x1024xf32> to vector<16x1024xf32>
    %add3A_398 = arith.addf %get3A_391, %get3A_397 : vector<16x1024xf32>
    %get3A_399 = arith.constant 96 : index
    %get3A_400 = arith.constant 0 : index
    %get3A_401 = vector.load %arg1[%get3A_399, %get3A_400] : memref<256x1024xf32, #tpu.memory_space<vmem>>, vector<16x1024xf32>
    %div3A_402 = vector.broadcast %max3A_226 : vector<1x1024xf32> to vector<16x1024xf32>
    %div3A_403 = arith.divf %add3A_398, %div3A_402 : vector<16x1024xf32>
    %broadcast_in_dim3A_404 = vector.shape_cast %gt3A_224 : vector<1x1024xi1> to vector<1x1024xi1>
    %broadcast_in_dim3A_405 = vector.broadcast %broadcast_in_dim3A_404 : vector<1x1024xi1> to vector<16x1024xi1>
    %select_n3A_406 = arith.select %broadcast_in_dim3A_405, %div3A_403, %get3A_401 : vector<16x1024xi1>, vector<16x1024xf32>
    %sub3A_407 = arith.subf %get3A_401, %select_n3A_406 : vector<16x1024xf32>
    %square3A_408 = arith.mulf %sub3A_407, %sub3A_407 : vector<16x1024xf32>
    %reduce_sum3A_409 = arith.constant dense<0.000000e+00> : vector<1024xf32>
    %reduce_sum3A_410 = vector.multi_reduction <add>, %square3A_408, %reduce_sum3A_409 [0] : vector<16x1024xf32> to vector<1024xf32>
    %broadcast_in_dim3A_411 = vector.shape_cast %reduce_sum3A_410 : vector<1024xf32> to vector<1x1024xf32>
    %add3A_412 = arith.addf %add3A_385, %broadcast_in_dim3A_411 : vector<1x1024xf32>
    %get3A_413 = arith.constant 0 : index
    %get3A_414 = arith.constant 7 : index
    %get3A_415 = arith.constant 0 : index
    %get3A_416 = arith.constant 0 : index
    %get3A_417 = vector.load %arg2[%get3A_413, %get3A_414, %get3A_415, %get3A_416] : memref<2x16x16x1024xf32, #tpu.memory_space<vmem>>, vector<1x1x16x1024xf32>
    %get3A_418 = vector.shape_cast %get3A_417 : vector<1x1x16x1024xf32> to vector<16x1024xf32>
    %get3A_419 = arith.constant 1 : index
    %get3A_420 = arith.constant 7 : index
    %get3A_421 = arith.constant 0 : index
    %get3A_422 = arith.constant 0 : index
    %get3A_423 = vector.load %arg2[%get3A_419, %get3A_420, %get3A_421, %get3A_422] : memref<2x16x16x1024xf32, #tpu.memory_space<vmem>>, vector<1x1x16x1024xf32>
    %get3A_424 = vector.shape_cast %get3A_423 : vector<1x1x16x1024xf32> to vector<16x1024xf32>
    %add3A_425 = arith.addf %get3A_418, %get3A_424 : vector<16x1024xf32>
    %get3A_426 = arith.constant 112 : index
    %get3A_427 = arith.constant 0 : index
    %get3A_428 = vector.load %arg1[%get3A_426, %get3A_427] : memref<256x1024xf32, #tpu.memory_space<vmem>>, vector<16x1024xf32>
    %div3A_429 = vector.broadcast %max3A_226 : vector<1x1024xf32> to vector<16x1024xf32>
    %div3A_430 = arith.divf %add3A_425, %div3A_429 : vector<16x1024xf32>
    %broadcast_in_dim3A_431 = vector.shape_cast %gt3A_224 : vector<1x1024xi1> to vector<1x1024xi1>
    %broadcast_in_dim3A_432 = vector.broadcast %broadcast_in_dim3A_431 : vector<1x1024xi1> to vector<16x1024xi1>
    %select_n3A_433 = arith.select %broadcast_in_dim3A_432, %div3A_430, %get3A_428 : vector<16x1024xi1>, vector<16x1024xf32>
    %sub3A_434 = arith.subf %get3A_428, %select_n3A_433 : vector<16x1024xf32>
    %square3A_435 = arith.mulf %sub3A_434, %sub3A_434 : vector<16x1024xf32>
    %reduce_sum3A_436 = arith.constant dense<0.000000e+00> : vector<1024xf32>
    %reduce_sum3A_437 = vector.multi_reduction <add>, %square3A_435, %reduce_sum3A_436 [0] : vector<16x1024xf32> to vector<1024xf32>
    %broadcast_in_dim3A_438 = vector.shape_cast %reduce_sum3A_437 : vector<1024xf32> to vector<1x1024xf32>
    %add3A_439 = arith.addf %add3A_412, %broadcast_in_dim3A_438 : vector<1x1024xf32>
    %get3A_440 = arith.constant 0 : index
    %get3A_441 = arith.constant 8 : index
    %get3A_442 = arith.constant 0 : index
    %get3A_443 = arith.constant 0 : index
    %get3A_444 = vector.load %arg2[%get3A_440, %get3A_441, %get3A_442, %get3A_443] : memref<2x16x16x1024xf32, #tpu.memory_space<vmem>>, vector<1x1x16x1024xf32>
    %get3A_445 = vector.shape_cast %get3A_444 : vector<1x1x16x1024xf32> to vector<16x1024xf32>
    %get3A_446 = arith.constant 1 : index
    %get3A_447 = arith.constant 8 : index
    %get3A_448 = arith.constant 0 : index
    %get3A_449 = arith.constant 0 : index
    %get3A_450 = vector.load %arg2[%get3A_446, %get3A_447, %get3A_448, %get3A_449] : memref<2x16x16x1024xf32, #tpu.memory_space<vmem>>, vector<1x1x16x1024xf32>
    %get3A_451 = vector.shape_cast %get3A_450 : vector<1x1x16x1024xf32> to vector<16x1024xf32>
    %add3A_452 = arith.addf %get3A_445, %get3A_451 : vector<16x1024xf32>
    %get3A_453 = arith.constant 128 : index
    %get3A_454 = arith.constant 0 : index
    %get3A_455 = vector.load %arg1[%get3A_453, %get3A_454] : memref<256x1024xf32, #tpu.memory_space<vmem>>, vector<16x1024xf32>
    %div3A_456 = vector.broadcast %max3A_226 : vector<1x1024xf32> to vector<16x1024xf32>
    %div3A_457 = arith.divf %add3A_452, %div3A_456 : vector<16x1024xf32>
    %broadcast_in_dim3A_458 = vector.shape_cast %gt3A_224 : vector<1x1024xi1> to vector<1x1024xi1>
    %broadcast_in_dim3A_459 = vector.broadcast %broadcast_in_dim3A_458 : vector<1x1024xi1> to vector<16x1024xi1>
    %select_n3A_460 = arith.select %broadcast_in_dim3A_459, %div3A_457, %get3A_455 : vector<16x1024xi1>, vector<16x1024xf32>
    %sub3A_461 = arith.subf %get3A_455, %select_n3A_460 : vector<16x1024xf32>
    %square3A_462 = arith.mulf %sub3A_461, %sub3A_461 : vector<16x1024xf32>
    %reduce_sum3A_463 = arith.constant dense<0.000000e+00> : vector<1024xf32>
    %reduce_sum3A_464 = vector.multi_reduction <add>, %square3A_462, %reduce_sum3A_463 [0] : vector<16x1024xf32> to vector<1024xf32>
    %broadcast_in_dim3A_465 = vector.shape_cast %reduce_sum3A_464 : vector<1024xf32> to vector<1x1024xf32>
    %add3A_466 = arith.addf %add3A_439, %broadcast_in_dim3A_465 : vector<1x1024xf32>
    %get3A_467 = arith.constant 0 : index
    %get3A_468 = arith.constant 9 : index
    %get3A_469 = arith.constant 0 : index
    %get3A_470 = arith.constant 0 : index
    %get3A_471 = vector.load %arg2[%get3A_467, %get3A_468, %get3A_469, %get3A_470] : memref<2x16x16x1024xf32, #tpu.memory_space<vmem>>, vector<1x1x16x1024xf32>
    %get3A_472 = vector.shape_cast %get3A_471 : vector<1x1x16x1024xf32> to vector<16x1024xf32>
    %get3A_473 = arith.constant 1 : index
    %get3A_474 = arith.constant 9 : index
    %get3A_475 = arith.constant 0 : index
    %get3A_476 = arith.constant 0 : index
    %get3A_477 = vector.load %arg2[%get3A_473, %get3A_474, %get3A_475, %get3A_476] : memref<2x16x16x1024xf32, #tpu.memory_space<vmem>>, vector<1x1x16x1024xf32>
    %get3A_478 = vector.shape_cast %get3A_477 : vector<1x1x16x1024xf32> to vector<16x1024xf32>
    %add3A_479 = arith.addf %get3A_472, %get3A_478 : vector<16x1024xf32>
    %get3A_480 = arith.constant 144 : index
    %get3A_481 = arith.constant 0 : index
    %get3A_482 = vector.load %arg1[%get3A_480, %get3A_481] : memref<256x1024xf32, #tpu.memory_space<vmem>>, vector<16x1024xf32>
    %div3A_483 = vector.broadcast %max3A_226 : vector<1x1024xf32> to vector<16x1024xf32>
    %div3A_484 = arith.divf %add3A_479, %div3A_483 : vector<16x1024xf32>
    %broadcast_in_dim3A_485 = vector.shape_cast %gt3A_224 : vector<1x1024xi1> to vector<1x1024xi1>
    %broadcast_in_dim3A_486 = vector.broadcast %broadcast_in_dim3A_485 : vector<1x1024xi1> to vector<16x1024xi1>
    %select_n3A_487 = arith.select %broadcast_in_dim3A_486, %div3A_484, %get3A_482 : vector<16x1024xi1>, vector<16x1024xf32>
    %sub3A_488 = arith.subf %get3A_482, %select_n3A_487 : vector<16x1024xf32>
    %square3A_489 = arith.mulf %sub3A_488, %sub3A_488 : vector<16x1024xf32>
    %reduce_sum3A_490 = arith.constant dense<0.000000e+00> : vector<1024xf32>
    %reduce_sum3A_491 = vector.multi_reduction <add>, %square3A_489, %reduce_sum3A_490 [0] : vector<16x1024xf32> to vector<1024xf32>
    %broadcast_in_dim3A_492 = vector.shape_cast %reduce_sum3A_491 : vector<1024xf32> to vector<1x1024xf32>
    %add3A_493 = arith.addf %add3A_466, %broadcast_in_dim3A_492 : vector<1x1024xf32>
    %get3A_494 = arith.constant 0 : index
    %get3A_495 = arith.constant 10 : index
    %get3A_496 = arith.constant 0 : index
    %get3A_497 = arith.constant 0 : index
    %get3A_498 = vector.load %arg2[%get3A_494, %get3A_495, %get3A_496, %get3A_497] : memref<2x16x16x1024xf32, #tpu.memory_space<vmem>>, vector<1x1x16x1024xf32>
    %get3A_499 = vector.shape_cast %get3A_498 : vector<1x1x16x1024xf32> to vector<16x1024xf32>
    %get3A_500 = arith.constant 1 : index
    %get3A_501 = arith.constant 10 : index
    %get3A_502 = arith.constant 0 : index
    %get3A_503 = arith.constant 0 : index
    %get3A_504 = vector.load %arg2[%get3A_500, %get3A_501, %get3A_502, %get3A_503] : memref<2x16x16x1024xf32, #tpu.memory_space<vmem>>, vector<1x1x16x1024xf32>
    %get3A_505 = vector.shape_cast %get3A_504 : vector<1x1x16x1024xf32> to vector<16x1024xf32>
    %add3A_506 = arith.addf %get3A_499, %get3A_505 : vector<16x1024xf32>
    %get3A_507 = arith.constant 160 : index
    %get3A_508 = arith.constant 0 : index
    %get3A_509 = vector.load %arg1[%get3A_507, %get3A_508] : memref<256x1024xf32, #tpu.memory_space<vmem>>, vector<16x1024xf32>
    %div3A_510 = vector.broadcast %max3A_226 : vector<1x1024xf32> to vector<16x1024xf32>
    %div3A_511 = arith.divf %add3A_506, %div3A_510 : vector<16x1024xf32>
    %broadcast_in_dim3A_512 = vector.shape_cast %gt3A_224 : vector<1x1024xi1> to vector<1x1024xi1>
    %broadcast_in_dim3A_513 = vector.broadcast %broadcast_in_dim3A_512 : vector<1x1024xi1> to vector<16x1024xi1>
    %select_n3A_514 = arith.select %broadcast_in_dim3A_513, %div3A_511, %get3A_509 : vector<16x1024xi1>, vector<16x1024xf32>
    %sub3A_515 = arith.subf %get3A_509, %select_n3A_514 : vector<16x1024xf32>
    %square3A_516 = arith.mulf %sub3A_515, %sub3A_515 : vector<16x1024xf32>
    %reduce_sum3A_517 = arith.constant dense<0.000000e+00> : vector<1024xf32>
    %reduce_sum3A_518 = vector.multi_reduction <add>, %square3A_516, %reduce_sum3A_517 [0] : vector<16x1024xf32> to vector<1024xf32>
    %broadcast_in_dim3A_519 = vector.shape_cast %reduce_sum3A_518 : vector<1024xf32> to vector<1x1024xf32>
    %add3A_520 = arith.addf %add3A_493, %broadcast_in_dim3A_519 : vector<1x1024xf32>
    %get3A_521 = arith.constant 0 : index
    %get3A_522 = arith.constant 11 : index
    %get3A_523 = arith.constant 0 : index
    %get3A_524 = arith.constant 0 : index
    %get3A_525 = vector.load %arg2[%get3A_521, %get3A_522, %get3A_523, %get3A_524] : memref<2x16x16x1024xf32, #tpu.memory_space<vmem>>, vector<1x1x16x1024xf32>
    %get3A_526 = vector.shape_cast %get3A_525 : vector<1x1x16x1024xf32> to vector<16x1024xf32>
    %get3A_527 = arith.constant 1 : index
    %get3A_528 = arith.constant 11 : index
    %get3A_529 = arith.constant 0 : index
    %get3A_530 = arith.constant 0 : index
    %get3A_531 = vector.load %arg2[%get3A_527, %get3A_528, %get3A_529, %get3A_530] : memref<2x16x16x1024xf32, #tpu.memory_space<vmem>>, vector<1x1x16x1024xf32>
    %get3A_532 = vector.shape_cast %get3A_531 : vector<1x1x16x1024xf32> to vector<16x1024xf32>
    %add3A_533 = arith.addf %get3A_526, %get3A_532 : vector<16x1024xf32>
    %get3A_534 = arith.constant 176 : index
    %get3A_535 = arith.constant 0 : index
    %get3A_536 = vector.load %arg1[%get3A_534, %get3A_535] : memref<256x1024xf32, #tpu.memory_space<vmem>>, vector<16x1024xf32>
    %div3A_537 = vector.broadcast %max3A_226 : vector<1x1024xf32> to vector<16x1024xf32>
    %div3A_538 = arith.divf %add3A_533, %div3A_537 : vector<16x1024xf32>
    %broadcast_in_dim3A_539 = vector.shape_cast %gt3A_224 : vector<1x1024xi1> to vector<1x1024xi1>
    %broadcast_in_dim3A_540 = vector.broadcast %broadcast_in_dim3A_539 : vector<1x1024xi1> to vector<16x1024xi1>
    %select_n3A_541 = arith.select %broadcast_in_dim3A_540, %div3A_538, %get3A_536 : vector<16x1024xi1>, vector<16x1024xf32>
    %sub3A_542 = arith.subf %get3A_536, %select_n3A_541 : vector<16x1024xf32>
    %square3A_543 = arith.mulf %sub3A_542, %sub3A_542 : vector<16x1024xf32>
    %reduce_sum3A_544 = arith.constant dense<0.000000e+00> : vector<1024xf32>
    %reduce_sum3A_545 = vector.multi_reduction <add>, %square3A_543, %reduce_sum3A_544 [0] : vector<16x1024xf32> to vector<1024xf32>
    %broadcast_in_dim3A_546 = vector.shape_cast %reduce_sum3A_545 : vector<1024xf32> to vector<1x1024xf32>
    %add3A_547 = arith.addf %add3A_520, %broadcast_in_dim3A_546 : vector<1x1024xf32>
    %get3A_548 = arith.constant 0 : index
    %get3A_549 = arith.constant 12 : index
    %get3A_550 = arith.constant 0 : index
    %get3A_551 = arith.constant 0 : index
    %get3A_552 = vector.load %arg2[%get3A_548, %get3A_549, %get3A_550, %get3A_551] : memref<2x16x16x1024xf32, #tpu.memory_space<vmem>>, vector<1x1x16x1024xf32>
    %get3A_553 = vector.shape_cast %get3A_552 : vector<1x1x16x1024xf32> to vector<16x1024xf32>
    %get3A_554 = arith.constant 1 : index
    %get3A_555 = arith.constant 12 : index
    %get3A_556 = arith.constant 0 : index
    %get3A_557 = arith.constant 0 : index
    %get3A_558 = vector.load %arg2[%get3A_554, %get3A_555, %get3A_556, %get3A_557] : memref<2x16x16x1024xf32, #tpu.memory_space<vmem>>, vector<1x1x16x1024xf32>
    %get3A_559 = vector.shape_cast %get3A_558 : vector<1x1x16x1024xf32> to vector<16x1024xf32>
    %add3A_560 = arith.addf %get3A_553, %get3A_559 : vector<16x1024xf32>
    %get3A_561 = arith.constant 192 : index
    %get3A_562 = arith.constant 0 : index
    %get3A_563 = vector.load %arg1[%get3A_561, %get3A_562] : memref<256x1024xf32, #tpu.memory_space<vmem>>, vector<16x1024xf32>
    %div3A_564 = vector.broadcast %max3A_226 : vector<1x1024xf32> to vector<16x1024xf32>
    %div3A_565 = arith.divf %add3A_560, %div3A_564 : vector<16x1024xf32>
    %broadcast_in_dim3A_566 = vector.shape_cast %gt3A_224 : vector<1x1024xi1> to vector<1x1024xi1>
    %broadcast_in_dim3A_567 = vector.broadcast %broadcast_in_dim3A_566 : vector<1x1024xi1> to vector<16x1024xi1>
    %select_n3A_568 = arith.select %broadcast_in_dim3A_567, %div3A_565, %get3A_563 : vector<16x1024xi1>, vector<16x1024xf32>
    %sub3A_569 = arith.subf %get3A_563, %select_n3A_568 : vector<16x1024xf32>
    %square3A_570 = arith.mulf %sub3A_569, %sub3A_569 : vector<16x1024xf32>
    %reduce_sum3A_571 = arith.constant dense<0.000000e+00> : vector<1024xf32>
    %reduce_sum3A_572 = vector.multi_reduction <add>, %square3A_570, %reduce_sum3A_571 [0] : vector<16x1024xf32> to vector<1024xf32>
    %broadcast_in_dim3A_573 = vector.shape_cast %reduce_sum3A_572 : vector<1024xf32> to vector<1x1024xf32>
    %add3A_574 = arith.addf %add3A_547, %broadcast_in_dim3A_573 : vector<1x1024xf32>
    %get3A_575 = arith.constant 0 : index
    %get3A_576 = arith.constant 13 : index
    %get3A_577 = arith.constant 0 : index
    %get3A_578 = arith.constant 0 : index
    %get3A_579 = vector.load %arg2[%get3A_575, %get3A_576, %get3A_577, %get3A_578] : memref<2x16x16x1024xf32, #tpu.memory_space<vmem>>, vector<1x1x16x1024xf32>
    %get3A_580 = vector.shape_cast %get3A_579 : vector<1x1x16x1024xf32> to vector<16x1024xf32>
    %get3A_581 = arith.constant 1 : index
    %get3A_582 = arith.constant 13 : index
    %get3A_583 = arith.constant 0 : index
    %get3A_584 = arith.constant 0 : index
    %get3A_585 = vector.load %arg2[%get3A_581, %get3A_582, %get3A_583, %get3A_584] : memref<2x16x16x1024xf32, #tpu.memory_space<vmem>>, vector<1x1x16x1024xf32>
    %get3A_586 = vector.shape_cast %get3A_585 : vector<1x1x16x1024xf32> to vector<16x1024xf32>
    %add3A_587 = arith.addf %get3A_580, %get3A_586 : vector<16x1024xf32>
    %get3A_588 = arith.constant 208 : index
    %get3A_589 = arith.constant 0 : index
    %get3A_590 = vector.load %arg1[%get3A_588, %get3A_589] : memref<256x1024xf32, #tpu.memory_space<vmem>>, vector<16x1024xf32>
    %div3A_591 = vector.broadcast %max3A_226 : vector<1x1024xf32> to vector<16x1024xf32>
    %div3A_592 = arith.divf %add3A_587, %div3A_591 : vector<16x1024xf32>
    %broadcast_in_dim3A_593 = vector.shape_cast %gt3A_224 : vector<1x1024xi1> to vector<1x1024xi1>
    %broadcast_in_dim3A_594 = vector.broadcast %broadcast_in_dim3A_593 : vector<1x1024xi1> to vector<16x1024xi1>
    %select_n3A_595 = arith.select %broadcast_in_dim3A_594, %div3A_592, %get3A_590 : vector<16x1024xi1>, vector<16x1024xf32>
    %sub3A_596 = arith.subf %get3A_590, %select_n3A_595 : vector<16x1024xf32>
    %square3A_597 = arith.mulf %sub3A_596, %sub3A_596 : vector<16x1024xf32>
    %reduce_sum3A_598 = arith.constant dense<0.000000e+00> : vector<1024xf32>
    %reduce_sum3A_599 = vector.multi_reduction <add>, %square3A_597, %reduce_sum3A_598 [0] : vector<16x1024xf32> to vector<1024xf32>
    %broadcast_in_dim3A_600 = vector.shape_cast %reduce_sum3A_599 : vector<1024xf32> to vector<1x1024xf32>
    %add3A_601 = arith.addf %add3A_574, %broadcast_in_dim3A_600 : vector<1x1024xf32>
    %get3A_602 = arith.constant 0 : index
    %get3A_603 = arith.constant 14 : index
    %get3A_604 = arith.constant 0 : index
    %get3A_605 = arith.constant 0 : index
    %get3A_606 = vector.load %arg2[%get3A_602, %get3A_603, %get3A_604, %get3A_605] : memref<2x16x16x1024xf32, #tpu.memory_space<vmem>>, vector<1x1x16x1024xf32>
    %get3A_607 = vector.shape_cast %get3A_606 : vector<1x1x16x1024xf32> to vector<16x1024xf32>
    %get3A_608 = arith.constant 1 : index
    %get3A_609 = arith.constant 14 : index
    %get3A_610 = arith.constant 0 : index
    %get3A_611 = arith.constant 0 : index
    %get3A_612 = vector.load %arg2[%get3A_608, %get3A_609, %get3A_610, %get3A_611] : memref<2x16x16x1024xf32, #tpu.memory_space<vmem>>, vector<1x1x16x1024xf32>
    %get3A_613 = vector.shape_cast %get3A_612 : vector<1x1x16x1024xf32> to vector<16x1024xf32>
    %add3A_614 = arith.addf %get3A_607, %get3A_613 : vector<16x1024xf32>
    %get3A_615 = arith.constant 224 : index
    %get3A_616 = arith.constant 0 : index
    %get3A_617 = vector.load %arg1[%get3A_615, %get3A_616] : memref<256x1024xf32, #tpu.memory_space<vmem>>, vector<16x1024xf32>
    %div3A_618 = vector.broadcast %max3A_226 : vector<1x1024xf32> to vector<16x1024xf32>
    %div3A_619 = arith.divf %add3A_614, %div3A_618 : vector<16x1024xf32>
    %broadcast_in_dim3A_620 = vector.shape_cast %gt3A_224 : vector<1x1024xi1> to vector<1x1024xi1>
    %broadcast_in_dim3A_621 = vector.broadcast %broadcast_in_dim3A_620 : vector<1x1024xi1> to vector<16x1024xi1>
    %select_n3A_622 = arith.select %broadcast_in_dim3A_621, %div3A_619, %get3A_617 : vector<16x1024xi1>, vector<16x1024xf32>
    %sub3A_623 = arith.subf %get3A_617, %select_n3A_622 : vector<16x1024xf32>
    %square3A_624 = arith.mulf %sub3A_623, %sub3A_623 : vector<16x1024xf32>
    %reduce_sum3A_625 = arith.constant dense<0.000000e+00> : vector<1024xf32>
    %reduce_sum3A_626 = vector.multi_reduction <add>, %square3A_624, %reduce_sum3A_625 [0] : vector<16x1024xf32> to vector<1024xf32>
    %broadcast_in_dim3A_627 = vector.shape_cast %reduce_sum3A_626 : vector<1024xf32> to vector<1x1024xf32>
    %add3A_628 = arith.addf %add3A_601, %broadcast_in_dim3A_627 : vector<1x1024xf32>
    %get3A_629 = arith.constant 0 : index
    %get3A_630 = arith.constant 15 : index
    %get3A_631 = arith.constant 0 : index
    %get3A_632 = arith.constant 0 : index
    %get3A_633 = vector.load %arg2[%get3A_629, %get3A_630, %get3A_631, %get3A_632] : memref<2x16x16x1024xf32, #tpu.memory_space<vmem>>, vector<1x1x16x1024xf32>
    %get3A_634 = vector.shape_cast %get3A_633 : vector<1x1x16x1024xf32> to vector<16x1024xf32>
    %get3A_635 = arith.constant 1 : index
    %get3A_636 = arith.constant 15 : index
    %get3A_637 = arith.constant 0 : index
    %get3A_638 = arith.constant 0 : index
    %get3A_639 = vector.load %arg2[%get3A_635, %get3A_636, %get3A_637, %get3A_638] : memref<2x16x16x1024xf32, #tpu.memory_space<vmem>>, vector<1x1x16x1024xf32>
    %get3A_640 = vector.shape_cast %get3A_639 : vector<1x1x16x1024xf32> to vector<16x1024xf32>
    %add3A_641 = arith.addf %get3A_634, %get3A_640 : vector<16x1024xf32>
    %get3A_642 = arith.constant 240 : index
    %get3A_643 = arith.constant 0 : index
    %get3A_644 = vector.load %arg1[%get3A_642, %get3A_643] : memref<256x1024xf32, #tpu.memory_space<vmem>>, vector<16x1024xf32>
    %div3A_645 = vector.broadcast %max3A_226 : vector<1x1024xf32> to vector<16x1024xf32>
    %div3A_646 = arith.divf %add3A_641, %div3A_645 : vector<16x1024xf32>
    %broadcast_in_dim3A_647 = vector.shape_cast %gt3A_224 : vector<1x1024xi1> to vector<1x1024xi1>
    %broadcast_in_dim3A_648 = vector.broadcast %broadcast_in_dim3A_647 : vector<1x1024xi1> to vector<16x1024xi1>
    %select_n3A_649 = arith.select %broadcast_in_dim3A_648, %div3A_646, %get3A_644 : vector<16x1024xi1>, vector<16x1024xf32>
    %sub3A_650 = arith.subf %get3A_644, %select_n3A_649 : vector<16x1024xf32>
    %square3A_651 = arith.mulf %sub3A_650, %sub3A_650 : vector<16x1024xf32>
    %reduce_sum3A_652 = arith.constant dense<0.000000e+00> : vector<1024xf32>
    %reduce_sum3A_653 = vector.multi_reduction <add>, %square3A_651, %reduce_sum3A_652 [0] : vector<16x1024xf32> to vector<1024xf32>
    %broadcast_in_dim3A_654 = vector.shape_cast %reduce_sum3A_653 : vector<1024xf32> to vector<1x1024xf32>
    %add3A_655 = arith.addf %add3A_628, %broadcast_in_dim3A_654 : vector<1x1024xf32>
    %jit3A = arith.constant 0.000000e+00 : f32
    %broadcast_in_dim3A_656 = vector.broadcast %jit3A : f32 to vector<1x1024xf32>
    %select_n3A_657 = arith.select %gt3A_224, %add3A_655, %broadcast_in_dim3A_656 : vector<1x1024xi1>, vector<1x1024xf32>
    %reduce_sum3A_658 = vector.shape_cast %select_n3A_657 : vector<1x1024xf32> to vector<1x1x1024xf32>
    %reduce_sum3A_659 = arith.constant dense<0.000000e+00> : vector<1xf32>
    %reduce_sum3A_660 = vector.multi_reduction <add>, %reduce_sum3A_658, %reduce_sum3A_659 [1, 2] : vector<1x1x1024xf32> to vector<1xf32>
    %reduce_sum3A_661 = vector.shape_cast %reduce_sum3A_660 : vector<1xf32> to vector<1x1x1xf32>
    %reduce_sum3A_662 = vector.extract %reduce_sum3A_661[0, 0, 0] : f32 from vector<1x1x1xf32>
    %convert_element_type3A = arith.extui %gt3A_224 : vector<1x1024xi1> to vector<1x1024xi32>
    %convert_element_type3A_663 = arith.sitofp %convert_element_type3A : vector<1x1024xi32> to vector<1x1024xf32>
    %reduce_sum3A_664 = vector.shape_cast %convert_element_type3A_663 : vector<1x1024xf32> to vector<1x1x1024xf32>
    %reduce_sum3A_665 = arith.constant dense<0.000000e+00> : vector<1xf32>
    %reduce_sum3A_666 = vector.multi_reduction <add>, %reduce_sum3A_664, %reduce_sum3A_665 [1, 2] : vector<1x1x1024xf32> to vector<1xf32>
    %reduce_sum3A_667 = vector.shape_cast %reduce_sum3A_666 : vector<1xf32> to vector<1x1x1xf32>
    %reduce_sum3A_668 = vector.extract %reduce_sum3A_667[0, 0, 0] : f32 from vector<1x1x1xf32>
    %get3A_669 = arith.constant 0 : index
    %get3A_670 = arith.constant 0 : index
    %get3A_671 = vector.load %arg4[%get3A_669, %get3A_670] : memref<1024x1xf32, #tpu.memory_space<vmem>>, vector<1024x1xf32>
    %dot_general3A = arith.constant dense<0.000000e+00> : vector<1x1xf32>
    %dot_general3A_672 = tpu.matmul %add3A_222, %get3A_671, %dot_general3A {dimension_numbers = #tpu.dot_dimension_numbers<[1], [0], [0], [1], [0, 0, 1, 1], [], []>, transpose_lhs_hint = false} : vector<1x1024xf32>, vector<1024x1xf32>, vector<1x1xf32> -> vector<1x1xf32>
    %squeeze3A = vector.extract %dot_general3A_672[0, 0] : f32 from vector<1x1xf32>
    %div3A_673 = arith.constant 4.096000e+03 : f32
    %div3A_674 = arith.divf %squeeze3A, %div3A_673 : f32
    %div3A_675 = arith.divf %reduce_sum3A_662, %reduce_sum3A_668 : f32
    %swap3A = arith.constant 0 : index
    %swap3A_676 = arith.constant 0 : index
    %swap3A_677 = memref.load %arg5[%swap3A, %swap3A_676] : memref<1x1xf32, #tpu.memory_space<smem>>
    memref.store %div3A_675, %arg5[%swap3A, %swap3A_676] : memref<1x1xf32, #tpu.memory_space<smem>>
    %swap3A_678 = arith.constant 0 : index
    %swap3A_679 = arith.constant 0 : index
    %swap3A_680 = memref.load %arg6[%swap3A_678, %swap3A_679] : memref<1x1xf32, #tpu.memory_space<smem>>
    memref.store %div3A_674, %arg6[%swap3A_678, %swap3A_679] : memref<1x1xf32, #tpu.memory_space<smem>>
    return
  }
  func.func @transform_0(%arg0: i32) -> (i32, i32) {
    %c0_i32 = arith.constant 0 : i32
    %c0_i32_0 = arith.constant 0 : i32
    %c0_i32_1 = arith.constant 0 : i32
    return %c0_i32, %c0_i32_0 : i32, i32
  }
  func.func @transform_1(%arg0: i32) -> (i32, i32, i32, i32) {
    %c0_i32 = arith.constant 0 : i32
    %c0_i32_0 = arith.constant 0 : i32
    %c0_i32_1 = arith.constant 0 : i32
    %c0_i32_2 = arith.constant 0 : i32
    %c0_i32_3 = arith.constant 0 : i32
    return %c0_i32, %c0_i32_0, %c0_i32_1, %c0_i32_2 : i32, i32, i32, i32
  }
  func.func @transform_2(%arg0: i32) -> (i32, i32, i32, i32) {
    %c0_i32 = arith.constant 0 : i32
    %c0_i32_0 = arith.constant 0 : i32
    %c0_i32_1 = arith.constant 0 : i32
    %c0_i32_2 = arith.constant 0 : i32
    %c0_i32_3 = arith.constant 0 : i32
    return %c0_i32, %c0_i32_0, %c0_i32_1, %c0_i32_2 : i32, i32, i32, i32
  }
  func.func @transform_3(%arg0: i32) -> (i32, i32) {
    %c0_i32 = arith.constant 0 : i32
    %c0_i32_0 = arith.constant 0 : i32
    %c0_i32_1 = arith.constant 0 : i32
    return %c0_i32, %c0_i32_0 : i32, i32
  }
  func.func @transform_4(%arg0: i32) -> (i32, i32) {
    %c0_i32 = arith.constant 0 : i32
    %c0_i32_0 = arith.constant 0 : i32
    %c0_i32_1 = arith.constant 0 : i32
    return %c0_i32, %c0_i32_0 : i32, i32
  }
  func.func @transform_5(%arg0: i32) -> (i32, i32) {
    %c0_i32 = arith.constant 0 : i32
    %c0_i32_0 = arith.constant 0 : i32
    %c0_i32_1 = arith.constant 0 : i32
    return %c0_i32, %c0_i32_0 : i32, i32
  }
}

</mosaic_0001>

<sc_bundles>
// kernel: kernel.5.cloned.1.call-start
scs
__scs_entry_jumppad:
0x0: {  	(pc) =	sbr.rel $0x88, $3  }
0x1: {  	(tag) =	ssettag $0x0;
	lr =	simm.s32 $0x1  }
0x2: {  	[smem:$0x3F9F] =	sst lr;
	_ =	strace $0xD0000000  }
0x3: {  	_ = 	snop  }
0x4: {  	_ = 	snop  }
0x5: {  	_ = 	snop  }
0x6: {  	_ = 	snop  }
0x7: {  	_ = 	snop  }
__scs_overlays_trampoline_lowered:
0x8: {  	[smem:$0x3FAE] =	sst s0  }
0x9: {  	[smem:$0x3FAF] =	sst s1  }
0xa: {  	[smem:$0x3FB0] =	sst s2  }
0xb: {  	[smem:$0x3FB1] =	sst s3  }
0xc: {  	[smem:$0x3FB2] =	sst s4  }
0xd: {  	[smem:$0x3FB3] =	sst s5  }
0xe: {  	[smem:$0x3FB4] =	sst s6  }
0xf: {  	[smem:$0x3FB5] =	sst s7  }
0x10: {  	[smem:$0x3FB6] =	sst s8  }
0x11: {  	[smem:$0x3FB7] =	sst s9;
	s0 =	simm.s32 @!p0 $0x0  }
0x12: {  	s1 =	sld [smem:$0x3F9D];
	s0 =	simm.s32 @p0 $0x1  }
0x13: {  	[smem:$0x3FB8] =	sst s0;
	s0 =	simm.s32 @!p1 $0x0  }
0x14: {  	s2 =	sld [smem:$0x3F9C];
	s0 =	simm.s32 @p1 $0x1  }
0x15: {  	[smem:$0x3FB9] =	sst s0;
	s0 =	simm.s32 @!p2 $0x0  }
0x16: {  	s3 =	sld [smem:$0x3FDB];
	s0 =	simm.s32 @p2 $0x1  }
0x17: {  	s4 =	simm.s32 $0x1BF5;
	[smem:$0x3FBB] =	sst s0  }
0x18: {  	s0 =	sld [smem:$0x3F9E];
	_ =	swait.ge [sflag:s4], $0x0  }
0x19: {  	s7 =	sld [smem:$0x3F9F]  }
0x1a: {  	s8 =	sadd.s32 $0xFFFFE003, lr  }
0x1b: {  	s9 =	sadd.s32 $0xFFFFFEF7, lr;
	s5 =	simm.s32 $0xFFFFFFFF;
	p2 =	slt.u32 s8, $0xFFFFF086  }
0x1c: {  	p1 =	slt.u32 s9, $0xF7A;
	s5 =	simm.s32 @!p2 $0x0  }
0x1d: {  	s5 =	simm.s32 @p1 $0x1;
	p0 =	seq.s32 s7, s2  }
0x1e: {  	s7 =	smul.u32 @!p0 $0xF7A, s2;
	p2 =	seq.s32 @!p0 s5, $0x0  }
0x1f: {  	s9 =	smul.u32 $0xF7A, s1;
	s8 =	simm.s32 @!p0 $0x1BF5;
	p2 =	por !p2, p0  }
0x20: {  	[sflag:s8] =	ssyncset.s32 @!p0 $0xFFFFF086;
	s6 =	sadd.s32 @!p0 s3, s7;
	s7 =	simm.s32 @!p0 $0x108  }
0x21: {  	s3 =	sadd.s32 s3, s9;
	s6 =	sadd.s32 @!p0 $0x88, s6;
	s7 =	simm.s32 @p2 $0x1082  }
0x22: {  	[simem:s7], [sflag:s8] =	dma.local @!p0 [hbm:s6], $0xF7A  }
0x23: {  	s9 =	sor.u32 $0xD0000000, s2;
	s6 =	simm.s32 $0x108;
	_ =	swait.ge @!p0 [sflag:s8], $0x0  }
0x24: {  	s3 =	sadd.s32 $0x88, s3;
	s6 =	simm.s32 @!p1 $0x1082;
	[sflag:s4] =	ssyncset.s32 $0xFFFFF086  }
0x25: {  	[simem:s6], [sflag:s4] =	dma.local [hbm:s3], $0xF7A  }
0x26: {  	[smem:$0x3F9F] =	sst s1;
	(tag) =	ssettag s2;
	_ =	strace s9  }
0x27: {  	s1 =	sld [smem:$0x3FAF]  }
0x28: {  	s2 =	sld [smem:$0x3FB0]  }
0x29: {  	s4 =	sld [smem:$0x3FB2]  }
0x2a: {  	p0 =	seq.s32 s5, $0x0;
	s5 =	sld [smem:$0x3FB3]  }
0x2b: {  	s6 =	sld [smem:$0x3FB4]  }
0x2c: {  	s7 =	sld [smem:$0x3FB5]  }
0x2d: {  	s3 =	simm.s32 $0x108;
	s8 =	sld [smem:$0x3FB6]  }
0x2e: {  	s3 =	simm.s32 @!p0 $0x1082;
	s9 =	sld [smem:$0x3FB7]  }
0x2f: {  	lr =	sadd.s32 s0, s3;
	s0 =	sld [smem:$0x3FAE]  }
0x30: {  	s3 =	sld [smem:$0x3FB1]  }
0x31: {  	[smem:$0x3FBA] =	sst s10  }
0x32: {  	s10 =	sld [smem:$0x3FB8];
	_ =	sdelay $0x3  }
0x33: {  	p0 =	seq.s32 s10, $0x1;
	s10 =	sld [smem:$0x3FBA];
	_ =	sdelay $0x3  }
0x34: {  	[smem:$0x3FBA] =	sst s10  }
0x35: {  	s10 =	sld [smem:$0x3FB9];
	_ =	sdelay $0x3  }
0x36: {  	p1 =	seq.s32 s10, $0x1;
	s10 =	sld [smem:$0x3FBA];
	_ =	sdelay $0x3  }
0x37: {  	[smem:$0x3FBA] =	sst s10  }
0x38: {  	s10 =	sld [smem:$0x3FBB]  }
0x39: {  	_ = 	snop;
	(pc) =	sbr.ind lr, $3  }
0x3a: {  	_ = 	snop  }
0x3b: {  	_ = 	snop  }
0x3c: {  	p2 =	seq.s32 s10, $0x1;
	s10 =	sld [smem:$0x3FBA]  }
0x3d: {  	_ =	shalt  }
0x3e: {  	_ =	shalt  }
0x3f: {  	_ =	shalt  }
0x40: {  	_ =	shalt  }
0x41: {  	_ =	shalt  }
0x42: {  	_ =	shalt  }
0x43: {  	_ =	shalt  }
0x44: {  	_ =	shalt  }
0x45: {  	_ =	shalt  }
0x46: {  	_ =	shalt  }
0x47: {  	_ =	shalt  }
0x48: {  	_ =	shalt  }
0x49: {  	_ =	shalt  }
0x4a: {  	_ =	shalt  }
0x4b: {  	_ =	shalt  }
0x4c: {  	_ =	shalt  }
0x4d: {  	_ =	shalt  }
0x4e: {  	_ =	shalt  }
0x4f: {  	_ =	shalt  }
0x50: {  	_ =	shalt  }
0x51: {  	_ =	shalt  }
0x52: {  	_ =	shalt  }
0x53: {  	_ =	shalt  }
0x54: {  	_ =	shalt  }
0x55: {  	_ =	shalt  }
0x56: {  	_ =	shalt  }
0x57: {  	_ =	shalt  }
0x58: {  	_ =	shalt  }
0x59: {  	_ =	shalt  }
0x5a: {  	_ =	shalt  }
0x5b: {  	_ =	shalt  }
0x5c: {  	_ =	shalt  }
0x5d: {  	_ =	shalt  }
0x5e: {  	_ =	shalt  }
0x5f: {  	_ =	shalt  }
0x60: {  	_ =	shalt  }
0x61: {  	_ =	shalt  }
0x62: {  	_ =	shalt  }
0x63: {  	_ =	shalt  }
0x64: {  	_ =	shalt  }
0x65: {  	_ =	shalt  }
0x66: {  	_ =	shalt  }
0x67: {  	_ =	shalt  }
0x68: {  	_ =	shalt  }
0x69: {  	_ =	shalt  }
0x6a: {  	_ =	shalt  }
0x6b: {  	_ =	shalt  }
0x6c: {  	_ =	shalt  }
0x6d: {  	_ =	shalt  }
0x6e: {  	_ =	shalt  }
0x6f: {  	_ =	shalt  }
0x70: {  	_ =	shalt  }
0x71: {  	_ =	shalt  }
0x72: {  	_ =	shalt  }
0x73: {  	_ =	shalt  }
0x74: {  	_ =	shalt  }
0x75: {  	_ =	shalt  }
0x76: {  	_ =	shalt  }
0x77: {  	_ =	shalt  }
0x78: {  	_ =	shalt  }
0x79: {  	_ =	shalt  }
0x7a: {  	_ =	shalt  }
0x7b: {  	_ =	shalt  }
0x7c: {  	_ =	shalt  }
0x7d: {  	_ =	shalt  }
0x7e: {  	_ =	shalt  }
0x7f: {  	_ =	shalt  }
0x80: {  	_ =	shalt  }
0x81: {  	_ =	shalt  }
0x82: {  	_ =	shalt  }
0x83: {  	_ =	shalt  }
0x84: {  	_ =	shalt  }
0x85: {  	_ =	shalt  }
0x86: {  	_ =	shalt  }
0x87: {  	_ =	shalt  }
.Lfunc_end0:
.L_simem_size_0:
called_computation_lowered:
.L_overlay_start_0:
0x88: {  	s2 =	sld [smem:$0x3FD9]  }
0x89: {  	s3 =	sld [smem:$0x3FFE];
	_ =	sdelay $0x1  }
0x8a: {  	s1 =	srdreg.scid  }
0x8b: {  	s0 =	sand.u32 $0x1, s1  }
0x8c: {  	s16 =	sshll.u32 s0, $0xA;
	s2 =	sadd.s32 s3, s2  }
0x8d: {  	s2 =	sadd.s32 s2, s16  }
0x8e: {  	[smem:$0x3FC6] =	sst s2  }
0x8f: {  	_ = 	snop  }
0x90: {  	(tm) =	ssettm $0x1  }
0x91: {  	s17 =	sld [smem:$0x3FFB];
	_ =	sdelay $0x3  }
0x92: {  	_ =	strace s17  }
0x93: {  	s2 =	sld [smem:$0x3FFC];
	_ =	sdelay $0x3  }
0x94: {  	_ =	strace s2  }
0x95: {  	s2 =	sld [smem:$0x3FFD];
	_ =	sdelay $0x3  }
0x96: {  	_ =	strace s2  }
0x97: {  	_ =	strace $0x8FFFFFFF  }
0x98: {  	s18 =	sld [smem:$0x3FDB];
	_ =	sdelay $0x1  }
0x99: {  	s19 =	simm.s32 $_scs_section_size  }
0x9a: {  	s4 =	simm.s32 $_size__tile_overlayer_lowered;
	s5 =	simm.s32 $_tile_overlayer_lowered  }
0x9b: {  	s22 =	simm.s32 $0x1BFF;
	s21 =	sshll.u32 s5, $0x1;
	s2 =	sadd.s32 s19, s18  }
0x9c: {  	s6 =	simm.s32 $0x0;
	s20 =	sshll.u32 s4, $0x1;
	s4 =	sadd.s32 s21, s2  }
0x9d: {  	[timem:s6], [sflag:s22] =	dma.local [hbm:s4], s20  }
0x9e: {  	_ =	swait.ge [sflag:s22], s20  }
0x9f: {  	s3 =	ssub.s32 $0x0, s20;
	[sflag:s22] =	ssyncset.done $0x0  }
0xa0: {  	[sflag:s22] =	ssyncadd.s32 s3;
	_ =	sdelay $0x1  }
0xa1: {  	s23 =	simm.s32 $0x1B8B  }
0xa2: {  	_ =	swait.ge [sflag:s23], $0x1  }
0xa3: {  	[sflag:s23] =	ssyncset.done $0x0  }
0xa4: {  	s25 =	simm.s32 $0x1B8E;
	s24 =	sld [smem:$0x3FFE];
	[sflag:s23] =	ssyncadd.s32 $0xFFFFFFFF  }
0xa5: {  	s26 =	simm.s32 $execute0_lowered;
	[smem:$0x3FD2] =	sst s25  }
0xa6: {  	s4 =	sshll.u32 s26, $0x1;
	_ =	strace $0x80000046;
	[dreg:$0x1] =	wrdreg $0xFFFFFFFF  }
0xa7: {  	s28 =	simm.s32 $_size_execute0_lowered;
	s2 =	sadd.s32 s2, s4;
	[dreg:$0x0] =	wrdreg $0x0  }
0xa8: {  	s4 =	sshll.u32 s28, $0x1;
	[dreg:$0x2] =	wrdreg s2  }
0xa9: {  	[dreg:$0x3] =	wrdreg s4  }
0xaa: {  	[dreg:$0x4] =	wrdreg $0xC0  }
0xab: {  	_ =	task [dreg:s6], $0x5FFFF  }
0xac: {  	[dreg:$0x1] =	wrdreg $0xFFFFFFFF  }
0xad: {  	[dreg:$0x0] =	wrdreg $0x60  }
0xae: {  	[dreg:$0x2] =	wrdreg s24  }
0xaf: {  	[dreg:$0x3] =	wrdreg $0x9  }
0xb0: {  	_ =	task.clear_ibuf [dreg:s6], $0x4FFFF;
	_ =	strace $0x90000046  }
0xb1: {  	s29 =	simm.s32 $0x9;
	_ =	strace $0x80000048  }
0xb2: {  	_ =	swait.ge [sflag:s29], $0x1  }
0xb3: {  	[sflag:s29] =	ssyncadd.s32 $0xFFFFFFFF  }
0xb4: {  	_ =	strace $0x90000048  }
0xb5: {  	_ =	sfence  }
0xb6: {  	s30 =	sld [smem:$0x0];
	_ =	sdelay $0x2  }
0xb7: {  	s31 =	sshll.u32 s1, $0xD;
	s1 =	sshrl.u32 s1, $0x2  }
0xb8: {  	s3 =	sand.u32 $0x4000, s31;
	s1 =	sadd.s32 s1, s30  }
0xb9: {  	s0 =	sor.u32 s3, s0;
	s1 =	sshll.u32 s1, $0x11  }
0xba: {  	s0 =	sor.u32 s1, s0  }
0xbb: {  	s0 =	sadd.s32 $0x8F2B, s0  }
0xbc: {  	[sflag:s0] =	ssyncadd.remote.s32 $0x1  }
0xbd: {  	_ =	sfence.sel $0xFFFF  }
0xbe: {  	[dreg:$0x0] =	wrdreg $0xFFFFFFFF;
	(pc) =	sbr.abs _section_cstart, $3  }
0xbf: {  	[dreg:$0x1] =	wrdreg $0xFFFFFFFF  }
0xc0: {  	_ =	task.clear_ibuf [dreg:s6], $0x2FFFF;
	_ =	strace $0x9FFFFFFF  }
0xc1: {  	(tm) =	ssettm $0x7FFFFFFF  }
tec
execute0_lowered:
.L_overlay_start_1:
0x0: {  	(tag) =	ssettag $0x1  }
0x1: {  	s4 =	rddreg [dreg:$0x0];
	s2 =	simm.s32 $0x0;
	s0 =	stileid.u32  }
0x2: {  	s3 =	srdreg.scid;
	s12 =	simm.s32 $0xC800;
	s13 =	simm.s32 $0x0  }
0x3: {  	[smem:$0x7FF] =	sst s2;
	s5 =	sshll.u32 s0, $0xC;
	s6 =	sand.u32 $0x1, s3  }
0x4: {  	s23 =	sshll.u32 s0, $0xB;
	_ =	strace $0x80000047;
	s5 =	sadd.s32 s5, s4  }
0x5: {  	s3 =	sshll.u32 s6, $0x8;
	s8 =	ssub.s32 $0x2, s6;
	s9 =	sadd.s32 s23, s4  }
0x6: {  	s25 =	sshll.u32 s6, $0x10;
	s26 =	sshll.u32 s6, $0xF;
	s6 =	sshll.u32 s6, $0xB  }
0x7: {  	s7 =	sadd.s32 s3, s4;
	s3 =	sshll.u32 s0, $0x7;
	s10 =	sshrl.u32 s8, $0x1  }
0x8: {  	s5 =	sadd.s32 s25, s5;
	s28 =	sadd.s32 s26, s9;
	s24 =	sadd.s32 $0x21800, s7  }
0x9: {  	s11 =	sadd.s32 s3, s4;
	s30 =	sadd.s32 $0x1800, s5;
	[dreg:$0x2] =	wrdreg s24  }
0xa: {  	s8 =	ssub.s32 s8, s10;
	s31 =	sadd.s32 $0x21A00, s28;
	[dreg:$0x3] =	wrdreg s30  }
0xb: {  	s10 =	simm.s32 $0x1;
	s29 =	sadd.s32 s6, s11;
	[dreg:$0x4] =	wrdreg s31  }
0xc: {  	v0 =	vimm.f32 $0.0e+00;
	v1 =	vimm.f32 $1.000000000e+00;
	s8 =	smax.u32 s8, $0x1;
	s11 =	simm.s32 $0x8800;
	s7 =	sadd.s32 $0x31A00, s29  }
.LBB2_1:
0xd: {  	s0 =	rddreg [dreg:$0x2]  }
0xe: {  	[tilespmem:s2], [sflag:$0x1] =	stream.linear.gather [hbm4b:s0+s2], $0x800, $0x38;
	[tilespmem:$0xCC00] =	vst v63  }
0xf: {  	s31 =	rddreg [dreg:$0x3];
	s1 =	simm.s32 $0x800;
	s14 =	simm.s32 $0x8840  }
0x10: {  	[tilespmem:s1], [sflag:$0x1] =	stream.linear.gather [hbm4b:s31+s2], $0x8000, $0x38;
	[tilespmem:$0xCC00] =	vst v63  }
0x11: {  	[tilespmem:s14+$0xFFFFFFC0] =	vst v0  }
0x12: {  	[tilespmem:s14+$0x30] =	vst v0  }
0x13: {  	[tilespmem:s14+$0x20] =	vst v0  }
0x14: {  	[tilespmem:s14+$0x10] =	vst v0  }
0x15: {  	[tilespmem:s14+$0x0] =	vst v0  }
0x16: {  	[tilespmem:s14+$0xFFFFFFF0] =	vst v0  }
0x17: {  	s16 =	simm.s32 $0x0;
	[tilespmem:s14+$0xFFFFFFE0] =	vst v0  }
.LBB2_2:
0x18: {  	s16 =	sadd.s32 $0x8, s16;
	[tilespmem:s14+$0xFFFFFFD0] =	vst v0;
	s14 =	sadd.s32 $0x400, s14;
	s15 =	simm.s32 $0x88F0  }
0x19: {  	[tilespmem:s14+$0xFFFFFFC0] =	vst v0;
	p0 =	slt.u32 s16, $0x38  }
0x1a: {  	[tilespmem:s14+$0x30] =	vst v0  }
.Ltmp0:
0x1b: {  	[tilespmem:s14+$0x20] =	vst v0;
	(pc) =	sbr.rel @p0 .LBB2_2-.Ltmp0, $4  }
0x1c: {  	[tilespmem:s14+$0x10] =	vst v0  }
0x1d: {  	[tilespmem:s14+$0x0] =	vst v0  }
0x1e: {  	[tilespmem:s14+$0xFFFFFFF0] =	vst v0  }
0x1f: {  	[tilespmem:s14+$0xFFFFFFE0] =	vst v0  }
0x20: {  	[tilespmem:s14+$0xFFFFFFD0] =	vst v0  }
0x21: {  	[tilespmem:s15+$0xFFFFFF90] =	vst v0  }
0x22: {  	[tilespmem:s15+$0x0] =	vst v0  }
0x23: {  	[tilespmem:s15+$0xFFFFFFF0] =	vst v0  }
0x24: {  	[tilespmem:s15+$0xFFFFFFE0] =	vst v0  }
0x25: {  	[tilespmem:s15+$0xFFFFFFD0] =	vst v0  }
0x26: {  	[tilespmem:s15+$0xFFFFFFC0] =	vst v0  }
0x27: {  	s16 =	simm.s32 $0x0;
	s14 =	simm.s32 $0x8970;
	[tilespmem:s15+$0xFFFFFFB0] =	vst v0  }
.LBB2_4:
0x28: {  	s16 =	sadd.s32 $0x8, s16;
	[tilespmem:s15+$0xFFFFFFA0] =	vst v0;
	s15 =	sadd.s32 $0x400, s15  }
0x29: {  	[tilespmem:s15+$0xFFFFFF90] =	vst v0;
	p0 =	slt.u32 s16, $0x38  }
0x2a: {  	[tilespmem:s15+$0x0] =	vst v0  }
.Ltmp1:
0x2b: {  	[tilespmem:s15+$0xFFFFFFF0] =	vst v0;
	(pc) =	sbr.rel @p0 .LBB2_4-.Ltmp1, $4  }
0x2c: {  	[tilespmem:s15+$0xFFFFFFE0] =	vst v0  }
0x2d: {  	[tilespmem:s15+$0xFFFFFFD0] =	vst v0  }
0x2e: {  	[tilespmem:s15+$0xFFFFFFC0] =	vst v0  }
0x2f: {  	[tilespmem:s15+$0xFFFFFFB0] =	vst v0  }
0x30: {  	[tilespmem:s15+$0xFFFFFFA0] =	vst v0  }
0x31: {  	[tilespmem:s14+$0xFFFFFF90] =	vst v0  }
0x32: {  	[tilespmem:s14+$0x0] =	vst v0  }
0x33: {  	[tilespmem:s14+$0xFFFFFFF0] =	vst v0  }
0x34: {  	[tilespmem:s14+$0xFFFFFFE0] =	vst v0  }
0x35: {  	[tilespmem:s14+$0xFFFFFFD0] =	vst v0  }
0x36: {  	[tilespmem:s14+$0xFFFFFFC0] =	vst v0  }
0x37: {  	s16 =	simm.s32 $0x0;
	[tilespmem:s14+$0xFFFFFFB0] =	vst v0  }
.LBB2_6:
0x38: {  	s16 =	sadd.s32 $0x8, s16;
	[tilespmem:s14+$0xFFFFFFA0] =	vst v0;
	s14 =	sadd.s32 $0x400, s14;
	s15 =	simm.s32 $0x89F0  }
0x39: {  	[tilespmem:s14+$0xFFFFFF90] =	vst v0;
	p0 =	slt.u32 s16, $0x38  }
0x3a: {  	[tilespmem:s14+$0x0] =	vst v0  }
.Ltmp2:
0x3b: {  	[tilespmem:s14+$0xFFFFFFF0] =	vst v0;
	(pc) =	sbr.rel @p0 .LBB2_6-.Ltmp2, $4  }
0x3c: {  	[tilespmem:s14+$0xFFFFFFE0] =	vst v0  }
0x3d: {  	[tilespmem:s14+$0xFFFFFFD0] =	vst v0  }
0x3e: {  	[tilespmem:s14+$0xFFFFFFC0] =	vst v0  }
0x3f: {  	[tilespmem:s14+$0xFFFFFFB0] =	vst v0  }
0x40: {  	[tilespmem:s14+$0xFFFFFFA0] =	vst v0  }
0x41: {  	[tilespmem:s15+$0xFFFFFF90] =	vst v0  }
0x42: {  	[tilespmem:s15+$0x0] =	vst v0  }
0x43: {  	[tilespmem:s15+$0xFFFFFFF0] =	vst v0  }
0x44: {  	[tilespmem:s15+$0xFFFFFFE0] =	vst v0  }
0x45: {  	[tilespmem:s15+$0xFFFFFFD0] =	vst v0  }
0x46: {  	[tilespmem:s15+$0xFFFFFFC0] =	vst v0  }
0x47: {  	s16 =	simm.s32 $0x0;
	s14 =	simm.s32 $0x8A70;
	[tilespmem:s15+$0xFFFFFFB0] =	vst v0  }
.LBB2_8:
0x48: {  	s16 =	sadd.s32 $0x8, s16;
	[tilespmem:s15+$0xFFFFFFA0] =	vst v0;
	s15 =	sadd.s32 $0x400, s15  }
0x49: {  	[tilespmem:s15+$0xFFFFFF90] =	vst v0;
	p0 =	slt.u32 s16, $0x38  }
0x4a: {  	[tilespmem:s15+$0x0] =	vst v0  }
.Ltmp3:
0x4b: {  	[tilespmem:s15+$0xFFFFFFF0] =	vst v0;
	(pc) =	sbr.rel @p0 .LBB2_8-.Ltmp3, $4  }
0x4c: {  	[tilespmem:s15+$0xFFFFFFE0] =	vst v0  }
0x4d: {  	[tilespmem:s15+$0xFFFFFFD0] =	vst v0  }
0x4e: {  	[tilespmem:s15+$0xFFFFFFC0] =	vst v0  }
0x4f: {  	[tilespmem:s15+$0xFFFFFFB0] =	vst v0  }
0x50: {  	[tilespmem:s15+$0xFFFFFFA0] =	vst v0  }
0x51: {  	[tilespmem:s14+$0xFFFFFF90] =	vst v0  }
0x52: {  	[tilespmem:s14+$0x0] =	vst v0  }
0x53: {  	[tilespmem:s14+$0xFFFFFFF0] =	vst v0  }
0x54: {  	[tilespmem:s14+$0xFFFFFFE0] =	vst v0  }
0x55: {  	[tilespmem:s14+$0xFFFFFFD0] =	vst v0  }
0x56: {  	[tilespmem:s14+$0xFFFFFFC0] =	vst v0  }
0x57: {  	s16 =	simm.s32 $0x0;
	[tilespmem:s14+$0xFFFFFFB0] =	vst v0  }
.LBB2_10:
0x58: {  	s16 =	sadd.s32 $0x8, s16;
	[tilespmem:s14+$0xFFFFFFA0] =	vst v0;
	s14 =	sadd.s32 $0x400, s14;
	s15 =	simm.s32 $0x8AF0  }
0x59: {  	[tilespmem:s14+$0xFFFFFF90] =	vst v0;
	p0 =	slt.u32 s16, $0x38  }
0x5a: {  	[tilespmem:s14+$0x0] =	vst v0  }
.Ltmp4:
0x5b: {  	[tilespmem:s14+$0xFFFFFFF0] =	vst v0;
	(pc) =	sbr.rel @p0 .LBB2_10-.Ltmp4, $4  }
0x5c: {  	[tilespmem:s14+$0xFFFFFFE0] =	vst v0  }
0x5d: {  	[tilespmem:s14+$0xFFFFFFD0] =	vst v0  }
0x5e: {  	[tilespmem:s14+$0xFFFFFFC0] =	vst v0  }
0x5f: {  	[tilespmem:s14+$0xFFFFFFB0] =	vst v0  }
0x60: {  	[tilespmem:s14+$0xFFFFFFA0] =	vst v0  }
0x61: {  	[tilespmem:s15+$0xFFFFFF90] =	vst v0  }
0x62: {  	[tilespmem:s15+$0x0] =	vst v0  }
0x63: {  	[tilespmem:s15+$0xFFFFFFF0] =	vst v0  }
0x64: {  	[tilespmem:s15+$0xFFFFFFE0] =	vst v0  }
0x65: {  	[tilespmem:s15+$0xFFFFFFD0] =	vst v0  }
0x66: {  	[tilespmem:s15+$0xFFFFFFC0] =	vst v0  }
0x67: {  	s16 =	simm.s32 $0x0;
	s14 =	simm.s32 $0x8B70;
	[tilespmem:s15+$0xFFFFFFB0] =	vst v0  }
.LBB2_12:
0x68: {  	s16 =	sadd.s32 $0x8, s16;
	[tilespmem:s15+$0xFFFFFFA0] =	vst v0;
	s15 =	sadd.s32 $0x400, s15  }
0x69: {  	[tilespmem:s15+$0xFFFFFF90] =	vst v0;
	p0 =	slt.u32 s16, $0x38  }
0x6a: {  	[tilespmem:s15+$0x0] =	vst v0  }
.Ltmp5:
0x6b: {  	[tilespmem:s15+$0xFFFFFFF0] =	vst v0;
	(pc) =	sbr.rel @p0 .LBB2_12-.Ltmp5, $4  }
0x6c: {  	[tilespmem:s15+$0xFFFFFFE0] =	vst v0  }
0x6d: {  	[tilespmem:s15+$0xFFFFFFD0] =	vst v0  }
0x6e: {  	[tilespmem:s15+$0xFFFFFFC0] =	vst v0  }
0x6f: {  	[tilespmem:s15+$0xFFFFFFB0] =	vst v0  }
0x70: {  	[tilespmem:s15+$0xFFFFFFA0] =	vst v0  }
0x71: {  	[tilespmem:s14+$0xFFFFFF90] =	vst v0  }
0x72: {  	[tilespmem:s14+$0x0] =	vst v0  }
0x73: {  	[tilespmem:s14+$0xFFFFFFF0] =	vst v0  }
0x74: {  	[tilespmem:s14+$0xFFFFFFE0] =	vst v0  }
0x75: {  	[tilespmem:s14+$0xFFFFFFD0] =	vst v0  }
0x76: {  	[tilespmem:s14+$0xFFFFFFC0] =	vst v0  }
0x77: {  	s16 =	simm.s32 $0x0;
	[tilespmem:s14+$0xFFFFFFB0] =	vst v0  }
.LBB2_14:
0x78: {  	s16 =	sadd.s32 $0x8, s16;
	[tilespmem:s14+$0xFFFFFFA0] =	vst v0;
	s14 =	sadd.s32 $0x400, s14;
	s15 =	simm.s32 $0x8BF0  }
0x79: {  	[tilespmem:s14+$0xFFFFFF90] =	vst v0;
	p0 =	slt.u32 s16, $0x38  }
0x7a: {  	[tilespmem:s14+$0x0] =	vst v0  }
.Ltmp6:
0x7b: {  	[tilespmem:s14+$0xFFFFFFF0] =	vst v0;
	(pc) =	sbr.rel @p0 .LBB2_14-.Ltmp6, $4  }
0x7c: {  	[tilespmem:s14+$0xFFFFFFE0] =	vst v0  }
0x7d: {  	[tilespmem:s14+$0xFFFFFFD0] =	vst v0  }
0x7e: {  	[tilespmem:s14+$0xFFFFFFC0] =	vst v0  }
0x7f: {  	[tilespmem:s14+$0xFFFFFFB0] =	vst v0  }
0x80: {  	[tilespmem:s14+$0xFFFFFFA0] =	vst v0  }
0x81: {  	[tilespmem:s15+$0xFFFFFF90] =	vst v0  }
0x82: {  	[tilespmem:s15+$0x0] =	vst v0  }
0x83: {  	[tilespmem:s15+$0xFFFFFFF0] =	vst v0  }
0x84: {  	[tilespmem:s15+$0xFFFFFFE0] =	vst v0  }
0x85: {  	[tilespmem:s15+$0xFFFFFFD0] =	vst v0  }
0x86: {  	[tilespmem:s15+$0xFFFFFFC0] =	vst v0  }
0x87: {  	s16 =	simm.s32 $0x0;
	s14 =	simm.s32 $0xA870;
	[tilespmem:s15+$0xFFFFFFB0] =	vst v0  }
.LBB2_16:
0x88: {  	s16 =	sadd.s32 $0x8, s16;
	[tilespmem:s15+$0xFFFFFFA0] =	vst v0;
	s15 =	sadd.s32 $0x400, s15  }
0x89: {  	[tilespmem:s15+$0xFFFFFF90] =	vst v0;
	p0 =	slt.u32 s16, $0x38  }
0x8a: {  	[tilespmem:s15+$0x0] =	vst v0  }
.Ltmp7:
0x8b: {  	[tilespmem:s15+$0xFFFFFFF0] =	vst v0;
	(pc) =	sbr.rel @p0 .LBB2_16-.Ltmp7, $4  }
0x8c: {  	[tilespmem:s15+$0xFFFFFFE0] =	vst v0  }
0x8d: {  	[tilespmem:s15+$0xFFFFFFD0] =	vst v0  }
0x8e: {  	[tilespmem:s15+$0xFFFFFFC0] =	vst v0  }
0x8f: {  	[tilespmem:s15+$0xFFFFFFB0] =	vst v0  }
0x90: {  	[tilespmem:s15+$0xFFFFFFA0] =	vst v0  }
0x91: {  	[tilespmem:s14+$0xFFFFFF90] =	vst v0  }
0x92: {  	[tilespmem:s14+$0x0] =	vst v0  }
0x93: {  	[tilespmem:s14+$0xFFFFFFF0] =	vst v0  }
0x94: {  	[tilespmem:s14+$0xFFFFFFE0] =	vst v0  }
0x95: {  	[tilespmem:s14+$0xFFFFFFD0] =	vst v0  }
0x96: {  	[tilespmem:s14+$0xFFFFFFC0] =	vst v0  }
0x97: {  	s16 =	simm.s32 $0x0;
	[tilespmem:s14+$0xFFFFFFB0] =	vst v0  }
.LBB2_18:
0x98: {  	s16 =	sadd.s32 $0x8, s16;
	[tilespmem:s14+$0xFFFFFFA0] =	vst v0;
	s14 =	sadd.s32 $0x400, s14;
	s15 =	simm.s32 $0xA8F0  }
0x99: {  	[tilespmem:s14+$0xFFFFFF90] =	vst v0;
	p0 =	slt.u32 s16, $0x38  }
0x9a: {  	[tilespmem:s14+$0x0] =	vst v0  }
.Ltmp8:
0x9b: {  	[tilespmem:s14+$0xFFFFFFF0] =	vst v0;
	(pc) =	sbr.rel @p0 .LBB2_18-.Ltmp8, $4  }
0x9c: {  	[tilespmem:s14+$0xFFFFFFE0] =	vst v0  }
0x9d: {  	[tilespmem:s14+$0xFFFFFFD0] =	vst v0  }
0x9e: {  	[tilespmem:s14+$0xFFFFFFC0] =	vst v0  }
0x9f: {  	[tilespmem:s14+$0xFFFFFFB0] =	vst v0  }
0xa0: {  	[tilespmem:s14+$0xFFFFFFA0] =	vst v0  }
0xa1: {  	[tilespmem:s15+$0xFFFFFF90] =	vst v0  }
0xa2: {  	[tilespmem:s15+$0x0] =	vst v0  }
0xa3: {  	[tilespmem:s15+$0xFFFFFFF0] =	vst v0  }
0xa4: {  	[tilespmem:s15+$0xFFFFFFE0] =	vst v0  }
0xa5: {  	[tilespmem:s15+$0xFFFFFFD0] =	vst v0  }
0xa6: {  	[tilespmem:s15+$0xFFFFFFC0] =	vst v0  }
0xa7: {  	s16 =	simm.s32 $0x0;
	s14 =	simm.s32 $0xA970;
	[tilespmem:s15+$0xFFFFFFB0] =	vst v0  }
.LBB2_20:
0xa8: {  	s16 =	sadd.s32 $0x8, s16;
	[tilespmem:s15+$0xFFFFFFA0] =	vst v0;
	s15 =	sadd.s32 $0x400, s15  }
0xa9: {  	[tilespmem:s15+$0xFFFFFF90] =	vst v0;
	p0 =	slt.u32 s16, $0x38  }
0xaa: {  	[tilespmem:s15+$0x0] =	vst v0  }
.Ltmp9:
0xab: {  	[tilespmem:s15+$0xFFFFFFF0] =	vst v0;
	(pc) =	sbr.rel @p0 .LBB2_20-.Ltmp9, $4  }
0xac: {  	[tilespmem:s15+$0xFFFFFFE0] =	vst v0  }
0xad: {  	[tilespmem:s15+$0xFFFFFFD0] =	vst v0  }
0xae: {  	[tilespmem:s15+$0xFFFFFFC0] =	vst v0  }
0xaf: {  	[tilespmem:s15+$0xFFFFFFB0] =	vst v0  }
0xb0: {  	[tilespmem:s15+$0xFFFFFFA0] =	vst v0  }
0xb1: {  	[tilespmem:s14+$0xFFFFFF90] =	vst v0  }
0xb2: {  	[tilespmem:s14+$0x0] =	vst v0  }
0xb3: {  	[tilespmem:s14+$0xFFFFFFF0] =	vst v0  }
0xb4: {  	[tilespmem:s14+$0xFFFFFFE0] =	vst v0  }
0xb5: {  	[tilespmem:s14+$0xFFFFFFD0] =	vst v0  }
0xb6: {  	[tilespmem:s14+$0xFFFFFFC0] =	vst v0  }
0xb7: {  	s16 =	simm.s32 $0x0;
	[tilespmem:s14+$0xFFFFFFB0] =	vst v0  }
.LBB2_22:
0xb8: {  	s16 =	sadd.s32 $0x8, s16;
	[tilespmem:s14+$0xFFFFFFA0] =	vst v0;
	s14 =	sadd.s32 $0x400, s14;
	s15 =	simm.s32 $0xA9F0  }
0xb9: {  	[tilespmem:s14+$0xFFFFFF90] =	vst v0;
	p0 =	slt.u32 s16, $0x38  }
0xba: {  	[tilespmem:s14+$0x0] =	vst v0  }
.Ltmp10:
0xbb: {  	[tilespmem:s14+$0xFFFFFFF0] =	vst v0;
	(pc) =	sbr.rel @p0 .LBB2_22-.Ltmp10, $4  }
0xbc: {  	[tilespmem:s14+$0xFFFFFFE0] =	vst v0  }
0xbd: {  	[tilespmem:s14+$0xFFFFFFD0] =	vst v0  }
0xbe: {  	[tilespmem:s14+$0xFFFFFFC0] =	vst v0  }
0xbf: {  	[tilespmem:s14+$0xFFFFFFB0] =	vst v0  }
0xc0: {  	[tilespmem:s14+$0xFFFFFFA0] =	vst v0  }
0xc1: {  	[tilespmem:s15+$0xFFFFFF90] =	vst v0  }
0xc2: {  	[tilespmem:s15+$0x0] =	vst v0  }
0xc3: {  	[tilespmem:s15+$0xFFFFFFF0] =	vst v0  }
0xc4: {  	[tilespmem:s15+$0xFFFFFFE0] =	vst v0  }
0xc5: {  	[tilespmem:s15+$0xFFFFFFD0] =	vst v0  }
0xc6: {  	[tilespmem:s15+$0xFFFFFFC0] =	vst v0  }
0xc7: {  	s16 =	simm.s32 $0x0;
	s14 =	simm.s32 $0xAA70;
	[tilespmem:s15+$0xFFFFFFB0] =	vst v0  }
.LBB2_24:
0xc8: {  	s16 =	sadd.s32 $0x8, s16;
	[tilespmem:s15+$0xFFFFFFA0] =	vst v0;
	s15 =	sadd.s32 $0x400, s15  }
0xc9: {  	[tilespmem:s15+$0xFFFFFF90] =	vst v0;
	p0 =	slt.u32 s16, $0x38  }
0xca: {  	[tilespmem:s15+$0x0] =	vst v0  }
.Ltmp11:
0xcb: {  	[tilespmem:s15+$0xFFFFFFF0] =	vst v0;
	(pc) =	sbr.rel @p0 .LBB2_24-.Ltmp11, $4  }
0xcc: {  	[tilespmem:s15+$0xFFFFFFE0] =	vst v0  }
0xcd: {  	[tilespmem:s15+$0xFFFFFFD0] =	vst v0  }
0xce: {  	[tilespmem:s15+$0xFFFFFFC0] =	vst v0  }
0xcf: {  	[tilespmem:s15+$0xFFFFFFB0] =	vst v0  }
0xd0: {  	[tilespmem:s15+$0xFFFFFFA0] =	vst v0  }
0xd1: {  	[tilespmem:s14+$0xFFFFFF90] =	vst v0  }
0xd2: {  	[tilespmem:s14+$0x0] =	vst v0  }
0xd3: {  	[tilespmem:s14+$0xFFFFFFF0] =	vst v0  }
0xd4: {  	[tilespmem:s14+$0xFFFFFFE0] =	vst v0  }
0xd5: {  	[tilespmem:s14+$0xFFFFFFD0] =	vst v0  }
0xd6: {  	[tilespmem:s14+$0xFFFFFFC0] =	vst v0  }
0xd7: {  	s16 =	simm.s32 $0x0;
	[tilespmem:s14+$0xFFFFFFB0] =	vst v0  }
.LBB2_26:
0xd8: {  	s16 =	sadd.s32 $0x8, s16;
	[tilespmem:s14+$0xFFFFFFA0] =	vst v0;
	s14 =	sadd.s32 $0x400, s14;
	s15 =	simm.s32 $0xAAF0  }
0xd9: {  	[tilespmem:s14+$0xFFFFFF90] =	vst v0;
	p0 =	slt.u32 s16, $0x38  }
0xda: {  	[tilespmem:s14+$0x0] =	vst v0  }
.Ltmp12:
0xdb: {  	[tilespmem:s14+$0xFFFFFFF0] =	vst v0;
	(pc) =	sbr.rel @p0 .LBB2_26-.Ltmp12, $4  }
0xdc: {  	[tilespmem:s14+$0xFFFFFFE0] =	vst v0  }
0xdd: {  	[tilespmem:s14+$0xFFFFFFD0] =	vst v0  }
0xde: {  	[tilespmem:s14+$0xFFFFFFC0] =	vst v0  }
0xdf: {  	[tilespmem:s14+$0xFFFFFFB0] =	vst v0  }
0xe0: {  	[tilespmem:s14+$0xFFFFFFA0] =	vst v0  }
0xe1: {  	[tilespmem:s15+$0xFFFFFF90] =	vst v0  }
0xe2: {  	[tilespmem:s15+$0x0] =	vst v0  }
0xe3: {  	[tilespmem:s15+$0xFFFFFFF0] =	vst v0  }
0xe4: {  	[tilespmem:s15+$0xFFFFFFE0] =	vst v0  }
0xe5: {  	[tilespmem:s15+$0xFFFFFFD0] =	vst v0  }
0xe6: {  	[tilespmem:s15+$0xFFFFFFC0] =	vst v0  }
0xe7: {  	s16 =	simm.s32 $0x0;
	s14 =	simm.s32 $0xAB70;
	[tilespmem:s15+$0xFFFFFFB0] =	vst v0  }
.LBB2_28:
0xe8: {  	s16 =	sadd.s32 $0x8, s16;
	[tilespmem:s15+$0xFFFFFFA0] =	vst v0;
	s15 =	sadd.s32 $0x400, s15  }
0xe9: {  	[tilespmem:s15+$0xFFFFFF90] =	vst v0;
	p0 =	slt.u32 s16, $0x38  }
0xea: {  	[tilespmem:s15+$0x0] =	vst v0  }
.Ltmp13:
0xeb: {  	[tilespmem:s15+$0xFFFFFFF0] =	vst v0;
	(pc) =	sbr.rel @p0 .LBB2_28-.Ltmp13, $4  }
0xec: {  	[tilespmem:s15+$0xFFFFFFE0] =	vst v0  }
0xed: {  	[tilespmem:s15+$0xFFFFFFD0] =	vst v0  }
0xee: {  	[tilespmem:s15+$0xFFFFFFC0] =	vst v0  }
0xef: {  	[tilespmem:s15+$0xFFFFFFB0] =	vst v0  }
0xf0: {  	[tilespmem:s15+$0xFFFFFFA0] =	vst v0  }
0xf1: {  	[tilespmem:s14+$0xFFFFFF90] =	vst v0  }
0xf2: {  	[tilespmem:s14+$0x0] =	vst v0  }
0xf3: {  	[tilespmem:s14+$0xFFFFFFF0] =	vst v0  }
0xf4: {  	[tilespmem:s14+$0xFFFFFFE0] =	vst v0  }
0xf5: {  	[tilespmem:s14+$0xFFFFFFD0] =	vst v0  }
0xf6: {  	[tilespmem:s14+$0xFFFFFFC0] =	vst v0  }
0xf7: {  	s16 =	simm.s32 $0x0;
	[tilespmem:s14+$0xFFFFFFB0] =	vst v0  }
.LBB2_30:
0xf8: {  	s16 =	sadd.s32 $0x8, s16;
	[tilespmem:s14+$0xFFFFFFA0] =	vst v0;
	s14 =	sadd.s32 $0x400, s14;
	s15 =	simm.s32 $0xABF0  }
0xf9: {  	[tilespmem:s14+$0xFFFFFF90] =	vst v0;
	p0 =	slt.u32 s16, $0x38  }
0xfa: {  	[tilespmem:s14+$0x0] =	vst v0  }
.Ltmp14:
0xfb: {  	[tilespmem:s14+$0xFFFFFFF0] =	vst v0;
	(pc) =	sbr.rel @p0 .LBB2_30-.Ltmp14, $4  }
0xfc: {  	[tilespmem:s14+$0xFFFFFFE0] =	vst v0  }
0xfd: {  	[tilespmem:s14+$0xFFFFFFD0] =	vst v0  }
0xfe: {  	[tilespmem:s14+$0xFFFFFFC0] =	vst v0  }
0xff: {  	[tilespmem:s14+$0xFFFFFFB0] =	vst v0  }
0x100: {  	[tilespmem:s14+$0xFFFFFFA0] =	vst v0  }
0x101: {  	[tilespmem:s15+$0xFFFFFF90] =	vst v0  }
0x102: {  	[tilespmem:s15+$0x0] =	vst v0  }
0x103: {  	[tilespmem:s15+$0xFFFFFFF0] =	vst v0  }
0x104: {  	[tilespmem:s15+$0xFFFFFFE0] =	vst v0  }
0x105: {  	[tilespmem:s15+$0xFFFFFFD0] =	vst v0  }
0x106: {  	[tilespmem:s15+$0xFFFFFFC0] =	vst v0  }
0x107: {  	s16 =	simm.s32 $0x0;
	s14 =	simm.s32 $0xC840;
	[tilespmem:s15+$0xFFFFFFB0] =	vst v0  }
.LBB2_32:
0x108: {  	s16 =	sadd.s32 $0x8, s16;
	[tilespmem:s15+$0xFFFFFFA0] =	vst v0;
	s15 =	sadd.s32 $0x400, s15  }
0x109: {  	[tilespmem:s15+$0xFFFFFF90] =	vst v0;
	p0 =	slt.u32 s16, $0x38  }
0x10a: {  	[tilespmem:s15+$0x0] =	vst v0  }
.Ltmp15:
0x10b: {  	[tilespmem:s15+$0xFFFFFFF0] =	vst v0;
	(pc) =	sbr.rel @p0 .LBB2_32-.Ltmp15, $4  }
0x10c: {  	[tilespmem:s15+$0xFFFFFFE0] =	vst v0  }
0x10d: {  	[tilespmem:s15+$0xFFFFFFD0] =	vst v0  }
0x10e: {  	[tilespmem:s15+$0xFFFFFFC0] =	vst v0  }
0x10f: {  	[tilespmem:s15+$0xFFFFFFB0] =	vst v0  }
0x110: {  	[tilespmem:s15+$0xFFFFFFA0] =	vst v0  }
0x111: {  	[tilespmem:s14+$0xFFFFFFC0] =	vst v0  }
0x112: {  	[tilespmem:s14+$0x30] =	vst v0  }
0x113: {  	[tilespmem:s14+$0x20] =	vst v0  }
0x114: {  	[tilespmem:s14+$0x10] =	vst v0  }
0x115: {  	[tilespmem:s14+$0x0] =	vst v0  }
0x116: {  	[tilespmem:s14+$0xFFFFFFF0] =	vst v0  }
0x117: {  	s15 =	simm.s32 $0x0;
	[tilespmem:s14+$0xFFFFFFE0] =	vst v0  }
.LBB2_34:
0x118: {  	s15 =	sadd.s32 $0x8, s15;
	[tilespmem:s14+$0xFFFFFFD0] =	vst v0;
	s14 =	sadd.s32 $0x80, s14  }
0x119: {  	[tilespmem:s14+$0xFFFFFFC0] =	vst v0;
	p0 =	slt.u32 s15, $0x38  }
0x11a: {  	[tilespmem:s14+$0x30] =	vst v0  }
.Ltmp16:
0x11b: {  	[tilespmem:s14+$0x20] =	vst v0;
	(pc) =	sbr.rel @p0 .LBB2_34-.Ltmp16, $4  }
0x11c: {  	[tilespmem:s14+$0x10] =	vst v0  }
0x11d: {  	[tilespmem:s14+$0x0] =	vst v0  }
0x11e: {  	[tilespmem:s14+$0xFFFFFFF0] =	vst v0  }
0x11f: {  	[tilespmem:s14+$0xFFFFFFE0] =	vst v0  }
0x120: {  	[tilespmem:s14+$0xFFFFFFD0] =	vst v0  }
0x121: {  	_ =	swait.ge [sflag:s10], $0x800  }
0x122: {  	[sflag:s10] =	ssyncset.done $0x0  }
0x123: {  	s16 =	simm.s32 $0x0;
	[sflag:s10] =	ssyncadd.s32 $0xFFFFF800  }
0x124: {  	s15 =	sand.u32 $0x3, s16;
	s14 =	sand.u32 $0x60, s16;
	_ =	swait.ge [sflag:s10], $0x8000  }
0x125: {  	s18 =	sand.u32 $0x780, s16;
	s17 =	sshll.u32 s15, $0x5;
	[sflag:s10] =	ssyncset.done $0x0  }
0x126: {  	s15 =	sor.u32 $0x10, s14;
	s21 =	sadd.s32 $0x0, s17;
	[sflag:s10] =	ssyncadd.s32 $0xFFFF8000  }
0x127: {  	s25 =	sor.u32 s15, s18;
	s22 =	sadd.s32 $0x10, s21;
	v4 =	vld [tilespmem:s16+$0x0]  }
0x128: {  	s18 =	sand.u32 $0x3C00, s16;
	s26 =	sor.u32 $0x300, s22;
	v5 =	vld [tilespmem:s25+$0x0]  }
0x129: {  	s28 =	sor.u32 $0x380, s21;
	s19 =	sadd.s32 $0x800, s18;
	v6 =	vld [tilespmem:s26+$0x800]  }
0x12a: {  	s23 =	sor.u32 s15, s19;
	v7 =	vld [tilespmem:s28+$0x800]  }
0x12b: {  	s30 =	sadd.s32 $0x4A80, s18;
	s20 =	sor.u32 s14, s19;
	v9 =	vld [tilespmem:s23+$0x100]  }
0x12c: {  	s24 =	sor.u32 s15, s30;
	v10 =	vld [tilespmem:s20+$0x0]  }
0x12d: {  	s31 =	sadd.s32 $0x4880, s18;
	s17 =	sor.u32 s14, s30;
	v2 =	vld [tilespmem:s24+$0x0]  }
0x12e: {  	s0 =	sor.u32 s14, s31;
	v11 =	vld [tilespmem:s17+$0x0]  }
0x12f: {  	s1 =	sadd.s32 $0x4B00, s18;
	v12 =	vld [tilespmem:s0+$0x0]  }
0x130: {  	s4 =	sor.u32 s15, s1;
	v13 =	vld [tilespmem:s23+$0x80]  }
0x131: {  	v3 =	vld [tilespmem:s4+$0x0]  }
0x132: {  	v14 =	vld [tilespmem:s23+$0x0]  }
0x133: {  	v16 =	vld [tilespmem:s23+$0x280]  }
0x134: {  	v37 =	vld [tilespmem:s20+$0x80]  }
0x135: {  	v22 =	vld [tilespmem:s20+$0x100]  }
0x136: {  	v24 =	vld [tilespmem:s20+$0x180]  }
0x137: {  	s22 =	sor.u32 $0x380, s22;
	v26 =	vld [tilespmem:s23+$0x200]  }
0x138: {  	v28 =	vld [tilespmem:s22+$0x800]  }
0x139: {  	v39 =	vld [tilespmem:s20+$0x280]  }
0x13a: {  	s21 =	sor.u32 $0x300, s21;
	v29 =	vld [tilespmem:s23+$0x180]  }
0x13b: {  	v44 =	vld [tilespmem:s21+$0x800]  }
0x13c: {  	s19 =	sor.u32 s15, s31;
	s16 =	sadd.s32 $0x4B80, s18;
	v50 =	vld [tilespmem:s20+$0x200]  }
0x13d: {  	s25 =	sadd.s32 $0x4A00, s18;
	v53 =	vld [tilespmem:s19+$0x0];
	s29 =	sor.u32 s14, s16  }
0x13e: {  	s26 =	sadd.s32 $0x4980, s18;
	s5 =	sor.u32 s15, s25;
	v8 =	vld [tilespmem:s29+$0x0]  }
0x13f: {  	s6 =	sor.u32 s15, s26;
	v15 =	vld [tilespmem:s5+$0x0];
	v18 =	vshll.u32 v4, $0x3  }
0x140: {  	s28 =	sadd.s32 $0x4800, s18;
	s26 =	sor.u32 s14, s26;
	v17 =	vld [tilespmem:s6+$0x0];
	v4 =	vand.u32 $0x7F, v4;
	v18 =	vand.u32 $0xFFFFFC00, v18  }
0x141: {  	s9 =	sor.u32 s15, s28;
	v19 =	vld [tilespmem:s26+$0x0];
	v4 =	vor.u32 v4, v18  }
0x142: {  	s18 =	sadd.s32 $0x4900, s18;
	s30 =	sor.u32 s14, s25;
	v20 =	vld [tilespmem:s9+$0x0];
	v21 =	vor.u32 $0x380, v4  }
0x143: {  	s31 =	sor.u32 s14, s18;
	v52 =	vld [tilespmem:s30+$0x0]  }
0x144: {  	s29 =	sor.u32 s14, s28;
	v55 =	vld [tilespmem:s31+$0x0];
	v25 =	vshll.u32 v5, $0x3;
	v27 =	vor.u32 $0x180, v4  }
0x145: {  	s18 =	sor.u32 s15, s18;
	v23 =	vld [tilespmem:s29+$0x0];
	v5 =	vand.u32 $0x7F, v5;
	v25 =	vand.u32 $0xFFFFFC00, v25;
	v38 =	vadd.s32 $0x2000, v4  }
0x146: {  	v57 =	vld [tilespmem:s18+$0x0];
	v5 =	vor.u32 v5, v25;
	v41 =	vor.u32 $0x280, v4  }
0x147: {  	[tilespmem:v21+s11+$0x0] =	vst.idx.add.f32.msk $0xffff, v7;
	v7 =	vadd.s32 $0x2000, v5  }
0x148: {  	v43 =	vor.u32 $0x80, v4;
	[tilespmem:v4+s11+$0x0] =	vst.idx.add.f32.msk $0xffff, v10  }
0x149: {  	v46 =	vor.u32 $0x300, v4;
	[tilespmem:v27+s11+$0x0] =	vst.idx.add.f32.msk $0xffff, v24  }
0x14a: {  	v47 =	vor.u32 $0x100, v4;
	[tilespmem:v38+s11+$0x0] =	vst.idx.add.f32.msk $0xffff, v23  }
0x14b: {  	v49 =	vor.u32 $0x200, v4;
	[tilespmem:v41+s11+$0x0] =	vst.idx.add.f32.msk $0xffff, v39  }
0x14c: {  	[tilespmem:v7+s11+$0x0] =	vst.idx.add.f32.msk $0xffff, v20;
	v7 =	vadd.s32 $0x2180, v4  }
0x14d: {  	v56 =	vadd.s32 $0x2100, v4;
	[tilespmem:v43+s11+$0x0] =	vst.idx.add.f32.msk $0xffff, v37  }
0x14e: {  	[tilespmem:v46+s11+$0x0] =	vst.idx.add.f32.msk $0xffff, v44  }
0x14f: {  	v48 =	vor.u32 $0x300, v5;
	[tilespmem:v47+s11+$0x0] =	vst.idx.add.f32.msk $0xffff, v22  }
0x150: {  	v62 =	vadd.s32 $0x2280, v4;
	[tilespmem:v49+s11+$0x0] =	vst.idx.add.f32.msk $0xffff, v50  }
0x151: {  	[tilespmem:v7+s11+$0x0] =	vst.idx.add.f32.msk $0xffff, v19;
	v7 =	vor.u32 $0x100, v5  }
0x152: {  	v40 =	vor.u32 $0x180, v5;
	[tilespmem:v56+s11+$0x0] =	vst.idx.add.f32.msk $0xffff, v55  }
0x153: {  	v42 =	vor.u32 $0x280, v5;
	[tilespmem:v5+s11+$0x0] =	vst.idx.add.f32.msk $0xffff, v14  }
0x154: {  	[tilespmem:v48+s11+$0x0] =	vst.idx.add.f32.msk $0xffff, v6;
	v6 =	vadd.s32 $0x2200, v4  }
0x155: {  	v51 =	vor.u32 $0x200, v5;
	[tilespmem:v62+s11+$0x0] =	vst.idx.add.f32.msk $0xffff, v11  }
0x156: {  	[tilespmem:v7+s11+$0x0] =	vst.idx.add.f32.msk $0xffff, v9;
	v7 =	vadd.s32 $0x2080, v4  }
0x157: {  	v58 =	vadd.s32 $0x2100, v5;
	[tilespmem:v40+s11+$0x0] =	vst.idx.add.f32.msk $0xffff, v29  }
0x158: {  	v59 =	vor.u32 $0x380, v5;
	[tilespmem:v42+s11+$0x0] =	vst.idx.add.f32.msk $0xffff, v16  }
0x159: {  	[tilespmem:v6+s11+$0x0] =	vst.idx.add.f32.msk $0xffff, v52;
	v6 =	vadd.s32 $0x2200, v5  }
0x15a: {  	[tilespmem:v51+s11+$0x0] =	vst.idx.add.f32.msk $0xffff, v26  }
0x15b: {  	[tilespmem:v7+s11+$0x0] =	vst.idx.add.f32.msk $0xffff, v12;
	v7 =	vadd.s32 $0x2380, v4  }
0x15c: {  	[tilespmem:v58+s11+$0x0] =	vst.idx.add.f32.msk $0xffff, v57  }
0x15d: {  	v60 =	vor.u32 $0x80, v5;
	[tilespmem:v59+s11+$0x0] =	vst.idx.add.f32.msk $0xffff, v28  }
0x15e: {  	s15 =	sor.u32 s15, s16;
	v45 =	vadd.s32 $0x2180, v5;
	[tilespmem:v6+s11+$0x0] =	vst.idx.add.f32.msk $0xffff, v15  }
0x15f: {  	v54 =	vadd.s32 $0x2080, v5;
	v6 =	vld [tilespmem:s15+$0x0]  }
0x160: {  	s14 =	sor.u32 s14, s1;
	v61 =	vadd.s32 $0x2380, v5;
	[tilespmem:v7+s11+$0x0] =	vst.idx.add.f32.msk $0xffff, v8  }
0x161: {  	v63 =	vadd.s32 $0x2300, v4;
	v7 =	vld [tilespmem:s14+$0x0]  }
0x162: {  	[tilespmem:v60+s11+$0x0] =	vst.idx.add.f32.msk $0xffff, v13  }
0x163: {  	[tilespmem:v45+s11+$0x0] =	vst.idx.add.f32.msk $0xffff, v17;
	v4 =	vadd.s32 $0x2280, v5;
	v5 =	vadd.s32 $0x2300, v5  }
0x164: {  	[tilespmem:v54+s11+$0x0] =	vst.idx.add.f32.msk $0xffff, v53  }
0x165: {  	s16 =	simm.s32 $0x20;
	[tilespmem:v61+s11+$0x0] =	vst.idx.add.f32.msk $0xffff, v6  }
0x166: {  	s18 =	simm.s32 $0x20;
	s15 =	simm.s32 $0x1;
	s14 =	simm.s32 $0x100;
	[tilespmem:v63+s11+$0x0] =	vst.idx.add.f32.msk $0xffff, v7  }
.LBB2_36:
0x167: {  	s19 =	sand.u32 $0x3, s15  }
0x168: {  	s24 =	sand.u32 $0x60, s18;
	[tilespmem:v5+s11+$0x0] =	vst.idx.add.f32.msk $0xffff, v3;
	s20 =	smov.u32 s18;
	s17 =	sadd.s32 $0x20, s18  }
0x169: {  	s19 =	sshll.u32 s19, $0x5;
	s29 =	sor.u32 $0x10, s24;
	s20 =	sand.u32 $0x780, s20;
	[tilespmem:v4+s11+$0x0] =	vst.idx.add.f32.msk $0xffff, v2  }
0x16a: {  	p0 =	sne.s32 s18, $0x7E0;
	s19 =	sadd.s32 s19, s14;
	v2 =	vld [tilespmem:s16+$0x0];
	s20 =	sor.u32 s29, s20  }
0x16b: {  	v3 =	vld [tilespmem:s20+$0x0];
	s21 =	sadd.s32 $0x10, s19  }
0x16c: {  	s25 =	sand.u32 $0x3C00, s14;
	s22 =	sor.u32 $0x380, s19;
	s18 =	sor.u32 $0x300, s21  }
0x16d: {  	s23 =	sadd.s32 $0x800, s25;
	s31 =	sadd.s32 $0x4B80, s25;
	s20 =	sor.u32 $0x300, s19;
	v9 =	vld [tilespmem:s18+$0x800]  }
0x16e: {  	s19 =	sor.u32 s24, s31;
	s18 =	sor.u32 s24, s23;
	s23 =	sor.u32 s29, s23;
	v10 =	vld [tilespmem:s22+$0x800]  }
0x16f: {  	s26 =	sor.u32 $0x380, s21;
	s21 =	sadd.s32 $0x4800, s25;
	s22 =	sadd.s32 $0x4A80, s25;
	v5 =	vshll.u32 v2, $0x3;
	v4 =	vld [tilespmem:s19+$0x0]  }
0x170: {  	s30 =	sor.u32 s24, s21;
	s0 =	sor.u32 s29, s21;
	v2 =	vand.u32 $0x7F, v2;
	s19 =	sor.u32 s29, s22;
	v5 =	vand.u32 $0xFFFFFC00, v5;
	v6 =	vshll.u32 v3, $0x3;
	v11 =	vld [tilespmem:s23+$0x100]  }
0x171: {  	s1 =	sadd.s32 $0x4A00, s25;
	s21 =	sadd.s32 $0x4880, s25;
	s28 =	sor.u32 s24, s22;
	v12 =	vld [tilespmem:s18+$0x0];
	v5 =	vor.u32 v2, v5;
	v2 =	vand.u32 $0x7F, v3;
	v3 =	vand.u32 $0xFFFFFC00, v6  }
0x172: {  	s9 =	sor.u32 s24, s21;
	s22 =	sor.u32 s29, s21;
	s21 =	sadd.s32 $0x4980, s25;
	v6 =	vor.u32 v2, v3;
	v13 =	vor.u32 $0x180, v5;
	v14 =	vadd.s32 $0x2000, v5;
	v2 =	vld [tilespmem:s19+$0x0]  }
0x173: {  	s4 =	sor.u32 s24, s21;
	s5 =	sor.u32 s29, s21;
	v15 =	vor.u32 $0x200, v5;
	s19 =	sadd.s32 $0x4B00, s25;
	v8 =	vor.u32 $0x80, v6;
	v7 =	vld [tilespmem:s28+$0x0]  }
0x174: {  	v17 =	vor.u32 $0x380, v5;
	v19 =	vadd.s32 $0x2080, v5;
	v16 =	vor.u32 $0x100, v6;
	s28 =	sor.u32 s24, s1;
	s1 =	sor.u32 s29, s1;
	v18 =	vld [tilespmem:s9+$0x0];
	s9 =	sor.u32 s29, s19  }
0x175: {  	s6 =	sadd.s32 $0x4900, s25;
	s21 =	sor.u32 s29, s31;
	v21 =	vor.u32 $0x180, v6;
	s19 =	sor.u32 s24, s19;
	v20 =	vld [tilespmem:s23+$0x80]  }
0x176: {  	s25 =	sor.u32 s24, s6;
	v22 =	vor.u32 $0x200, v6;
	s24 =	sor.u32 s29, s6;
	v3 =	vld [tilespmem:s9+$0x0]  }
0x177: {  	v25 =	vor.u32 $0x300, v5;
	v24 =	vor.u32 $0x280, v6;
	v23 =	vld [tilespmem:s23+$0x0]  }
0x178: {  	v26 =	vor.u32 $0x300, v6;
	v27 =	vld [tilespmem:s1+$0x0]  }
0x179: {  	v29 =	vor.u32 $0x380, v6;
	v28 =	vld [tilespmem:s23+$0x280]  }
0x17a: {  	v30 =	vadd.s32 $0x2000, v6;
	v31 =	vld [tilespmem:s5+$0x0]  }
0x17b: {  	v32 =	vld [tilespmem:s4+$0x0]  }
0x17c: {  	v33 =	vld [tilespmem:s0+$0x0]  }
0x17d: {  	v35 =	vor.u32 $0x80, v5;
	v34 =	vld [tilespmem:s18+$0x80]  }
0x17e: {  	v36 =	vld [tilespmem:s18+$0x100]  }
0x17f: {  	v37 =	vld [tilespmem:s30+$0x0]  }
0x180: {  	v38 =	vld [tilespmem:s18+$0x180]  }
0x181: {  	v39 =	vld [tilespmem:s23+$0x200]  }
0x182: {  	v40 =	vld [tilespmem:s26+$0x800]  }
0x183: {  	[tilespmem:v17+s11+$0x0] =	vst.idx.add.f32.msk $0xffff, v10;
	v10 =	vadd.s32 $0x2180, v5  }
0x184: {  	[tilespmem:v5+s11+$0x0] =	vst.idx.add.f32.msk $0xffff, v12  }
0x185: {  	v17 =	vadd.s32 $0x2180, v6;
	v12 =	vld [tilespmem:s18+$0x280]  }
0x186: {  	v41 =	vld [tilespmem:s23+$0x180]  }
0x187: {  	[tilespmem:v13+s11+$0x0] =	vst.idx.add.f32.msk $0xffff, v38;
	v13 =	vor.u32 $0x280, v5  }
0x188: {  	[tilespmem:v14+s11+$0x0] =	vst.idx.add.f32.msk $0xffff, v37  }
0x189: {  	v14 =	vor.u32 $0x100, v5;
	[tilespmem:v30+s11+$0x0] =	vst.idx.add.f32.msk $0xffff, v33  }
0x18a: {  	v30 =	vld [tilespmem:s20+$0x800]  }
0x18b: {  	[tilespmem:v21+s11+$0x0] =	vst.idx.add.f32.msk $0xffff, v41  }
0x18c: {  	[tilespmem:v13+s11+$0x0] =	vst.idx.add.f32.msk $0xffff, v12  }
0x18d: {  	[tilespmem:v24+s11+$0x0] =	vst.idx.add.f32.msk $0xffff, v28  }
0x18e: {  	[tilespmem:v35+s11+$0x0] =	vst.idx.add.f32.msk $0xffff, v34  }
0x18f: {  	[tilespmem:v10+s11+$0x0] =	vst.idx.add.f32.msk $0xffff, v32  }
0x190: {  	[tilespmem:v17+s11+$0x0] =	vst.idx.add.f32.msk $0xffff, v31  }
0x191: {  	[tilespmem:v25+s11+$0x0] =	vst.idx.add.f32.msk $0xffff, v30  }
0x192: {  	v10 =	vld [tilespmem:s18+$0x200]  }
0x193: {  	[tilespmem:v14+s11+$0x0] =	vst.idx.add.f32.msk $0xffff, v36  }
0x194: {  	v12 =	vld [tilespmem:s28+$0x0]  }
0x195: {  	[tilespmem:v16+s11+$0x0] =	vst.idx.add.f32.msk $0xffff, v11  }
0x196: {  	[tilespmem:v26+s11+$0x0] =	vst.idx.add.f32.msk $0xffff, v9  }
0x197: {  	v9 =	vadd.s32 $0x2200, v5;
	[tilespmem:v15+s11+$0x0] =	vst.idx.add.f32.msk $0xffff, v10  }
0x198: {  	[tilespmem:v22+s11+$0x0] =	vst.idx.add.f32.msk $0xffff, v39  }
0x199: {  	v11 =	vadd.s32 $0x2080, v6;
	v10 =	vld [tilespmem:s22+$0x0]  }
0x19a: {  	v14 =	vadd.s32 $0x2100, v5;
	v13 =	vld [tilespmem:s25+$0x0]  }
0x19b: {  	v16 =	vadd.s32 $0x2100, v6;
	v15 =	vld [tilespmem:s24+$0x0]  }
0x19c: {  	[tilespmem:v9+s11+$0x0] =	vst.idx.add.f32.msk $0xffff, v12  }
0x19d: {  	v9 =	vadd.s32 $0x2200, v6;
	[tilespmem:v19+s11+$0x0] =	vst.idx.add.f32.msk $0xffff, v18  }
0x19e: {  	[tilespmem:v11+s11+$0x0] =	vst.idx.add.f32.msk $0xffff, v10  }
0x19f: {  	v10 =	vadd.s32 $0x2380, v5;
	[tilespmem:v14+s11+$0x0] =	vst.idx.add.f32.msk $0xffff, v13  }
0x1a0: {  	[tilespmem:v16+s11+$0x0] =	vst.idx.add.f32.msk $0xffff, v15  }
0x1a1: {  	[tilespmem:v29+s11+$0x0] =	vst.idx.add.f32.msk $0xffff, v40  }
0x1a2: {  	[tilespmem:v9+s11+$0x0] =	vst.idx.add.f32.msk $0xffff, v27  }
0x1a3: {  	v11 =	vadd.s32 $0x2380, v6;
	v9 =	vld [tilespmem:s21+$0x0]  }
0x1a4: {  	v12 =	vadd.s32 $0x2280, v5;
	[tilespmem:v10+s11+$0x0] =	vst.idx.add.f32.msk $0xffff, v4  }
0x1a5: {  	v13 =	vadd.s32 $0x2300, v5;
	v10 =	vld [tilespmem:s19+$0x0]  }
.Ltmp17:
0x1a6: {  	v5 =	vadd.s32 $0x2300, v6;
	v4 =	vadd.s32 $0x2280, v6;
	[tilespmem:v8+s11+$0x0] =	vst.idx.add.f32.msk $0xffff, v20;
	(pc) =	sbr.rel @p0 .LBB2_36-.Ltmp17, $4  }
0x1a7: {  	[tilespmem:v6+s11+$0x0] =	vst.idx.add.f32.msk $0xffff, v23  }
0x1a8: {  	[tilespmem:v11+s11+$0x0] =	vst.idx.add.f32.msk $0xffff, v9  }
0x1a9: {  	s15 =	sadd.s32 $0x1, s15;
	[tilespmem:v12+s11+$0x0] =	vst.idx.add.f32.msk $0xffff, v7  }
0x1aa: {  	s14 =	sadd.s32 $0x100, s14;
	s16 =	sadd.s32 $0x20, s16;
	s18 =	smov.u32 s17;
	[tilespmem:v13+s11+$0x0] =	vst.idx.add.f32.msk $0xffff, v10  }
0x1ab: {  	_ =	sdelay $0x3  }
0x1ac: {  	[tilespmem:v5+s11+$0x0] =	vst.idx.add.f32.msk $0xffff, v3  }
0x1ad: {  	[tilespmem:v4+s11+$0x0] =	vst.idx.add.f32.msk $0xffff, v2  }
0x1ae: {  	v2 =	vld [tilespmem:s3+$0x0];
	_ =	sdelay $0x7  }
0x1af: {  	[tilespmem:v2+s12+$0x0] =	vst.idx.add.f32.msk $0xffff, v1  }
0x1b0: {  	v2 =	vld [tilespmem:s3+$0x10];
	_ =	sdelay $0x7  }
0x1b1: {  	[tilespmem:v2+s12+$0x0] =	vst.idx.add.f32.msk $0xffff, v1  }
0x1b2: {  	v2 =	vld [tilespmem:s3+$0x20];
	_ =	sdelay $0x7  }
0x1b3: {  	[tilespmem:v2+s12+$0x0] =	vst.idx.add.f32.msk $0xffff, v1  }
0x1b4: {  	v2 =	vld [tilespmem:s3+$0x30];
	_ =	sdelay $0x7  }
0x1b5: {  	[tilespmem:v2+s12+$0x0] =	vst.idx.add.f32.msk $0xffff, v1  }
0x1b6: {  	v2 =	vld [tilespmem:s3+$0x40];
	_ =	sdelay $0x7  }
0x1b7: {  	[tilespmem:v2+s12+$0x0] =	vst.idx.add.f32.msk $0xffff, v1  }
0x1b8: {  	v2 =	vld [tilespmem:s3+$0x50];
	_ =	sdelay $0x7  }
0x1b9: {  	[tilespmem:v2+s12+$0x0] =	vst.idx.add.f32.msk $0xffff, v1  }
0x1ba: {  	v2 =	vld [tilespmem:s3+$0x60];
	_ =	sdelay $0x7  }
0x1bb: {  	[tilespmem:v2+s12+$0x0] =	vst.idx.add.f32.msk $0xffff, v1  }
0x1bc: {  	v2 =	vld [tilespmem:s3+$0x70];
	_ =	sdelay $0x7  }
0x1bd: {  	s0 =	rddreg [dreg:$0x4];
	[tilespmem:v2+s12+$0x0] =	vst.idx.add.f32.msk $0xffff, v1  }
0x1be: {  	[hbm4b:s0+s2] =	stream.linear.scatter [tilespmem:s11], [sflag:$0x1], $0x4000, $0x38;
	[tilespmem:$0xCC00] =	vst v63  }
0x1bf: {  	s13 =	sadd.s32 $0x1, s13  }
0x1c0: {  	[hbm4b:s7+s2] =	stream.linear.scatter [tilespmem:s12], [sflag:$0x1], $0x400, $0x38;
	[tilespmem:$0xCC00] =	vst v63  }
0x1c1: {  	p0 =	sne.s32 s13, s8;
	_ =	swait.ge [sflag:s10], $0x4000  }
.Ltmp18:
0x1c2: {  	[sflag:s10] =	ssyncset.done $0x0;
	(pc) =	sbr.rel @p0 .LBB2_1-.Ltmp18, $4  }
0x1c3: {  	[sflag:s10] =	ssyncadd.s32 $0xFFFFC000  }
0x1c4: {  	_ =	swait.ge [sflag:s10], $0x400  }
0x1c5: {  	[sflag:s10] =	ssyncset.done $0x0  }
0x1c6: {  	[sflag:s10] =	ssyncadd.s32 $0xFFFFFC00  }
0x1c7: {  	_ =	sfence.sel $0x180000  }
0x1c8: {  	[bflag:$0x0] =	sbarrier.arrive $0xFFFF  }
0x1c9: {  	_ =	strace $0x90000047  }
0x1ca: {  	s0 =	stileid.u32;
	[bflag:$0x2] =	sbarrier.arrive $0xFFFF  }
0x1cb: {  	p0 =	sne.s32 s0, $0x0;
	s0 =	rddreg [dreg:$0x1]  }
0x1cc: {  	s0 =	sadd.s32 @!p0 $0x100000, s0  }
0x1cd: {  	[sflag:s0] =	ssyncadd.tile.s32 @!p0 $0x1;
	_ =	shalt  }
.Lfunc_end2:
_tile_overlayer_lowered:
.L_overlay_start_2:
0x1ce: {  	(tag) =	ssettag $0x2  }
0x1cf: {  	s0 =	rddreg [dreg:$0x0];
	s2 =	stileid.u32  }
0x1d0: {  	s1 =	rddreg [dreg:$0x1];
	p0 =	sne.s32 s2, $0x0  }
0x1d1: {  	s3 =	rddreg [dreg:$0x2];
	[bflag:$0x3] =	sbarrier.arrive $0xFFFF;
	s2 =	simm.s32 @!p0 $0x1C02  }
0x1d2: {  	[timem:s3], [sflag:s2] =	dma.local @!p0 [hbm:s0], s1  }
0x1d3: {  	s0 =	simm.s32 @!p0 $0x2  }
0x1d4: {  	_ =	swait.ge @!p0 [sflag:s0], s1  }
0x1d5: {  	s1 =	ssub.s32 @!p0 $0x0, s1;
	[sflag:s0] =	ssyncset.done @!p0 $0x0  }
0x1d6: {  	[sflag:s0] =	ssyncadd.s32 @!p0 s1  }
0x1d7: {  	[bflag:$0x3] =	sbarrier.arrive $0xFFFF  }
0x1d8: {  	_ =	shalt  }

</sc_bundles>
